<compile_context>
chip_gen: v7x
topology: tpu7x:2x2x1
jax: 0.10.2.dev20260603
libtpu: 0.0.44.dev20260713+nightly
codegen_flags: <defaults>
</compile_context>

<pallas_src>
import functools

import jax
import jax.numpy as jnp
from jax import lax
from jax.experimental import pallas as pl
from jax.experimental.pallas import tpu as pltpu
from jax.experimental.pallas import tpu_sc as plsc

_N_NODES = 10000
_N_EDGES = 320000
_D = 128
_N_GRAPHS = 512
_D_OUT = 64

_NC = 2
_NS = 16
_NW = _NC * _NS
_CHUNK = 125
_NCHT = _N_EDGES // _CHUNK
_PH = 40
_RPT = 624
_RTAIL = _N_NODES - _NS * _RPT


def _spmm_body(table, srcr, dstr, zeros, out, src_v, dst_v, rows0_v, rows1_v,
               agg_sh, sem0, sem1):
    c = lax.axis_index("c")
    s = lax.axis_index("s")
    wid = s * _NC + c

    rbase = s * _RPT
    pltpu.sync_copy(zeros.at[pl.ds(rbase, _RPT)], agg_sh.at[pl.ds(rbase, _RPT)])

    @pl.when(s == _NS - 1)
    def _():
        pltpu.sync_copy(zeros.at[pl.ds(_NS * _RPT, _RTAIL)],
                        agg_sh.at[pl.ds(_NS * _RPT, _RTAIL)])

    plsc.subcore_barrier()

    def _step(j, cur_v, csem, nxt_v, nsem):
        pltpu.make_async_copy(table.at[src_v.at[j]], cur_v, csem).wait()

        @pl.when(j + 1 < _PH)
        def _():
            pltpu.async_copy(table.at[src_v.at[j + 1]], nxt_v, nsem)

        pltpu.sync_copy(cur_v, agg_sh.at[dst_v.at[j]], add=True)

    def _body(j, carry):
        @pl.when(j % 2 == 0)
        def _():
            _step(j, rows0_v, sem0, rows1_v, sem1)

        @pl.when(j % 2 == 1)
        def _():
            _step(j, rows1_v, sem1, rows0_v, sem0)

        return carry

    for phase in range(2):
        pbase = wid * (2 * _PH) + phase * _PH
        pltpu.sync_copy(srcr.at[pl.ds(pbase, _PH)], src_v)
        pltpu.sync_copy(dstr.at[pl.ds(pbase, _PH)], dst_v)
        pltpu.async_copy(table.at[src_v.at[0]], rows0_v, sem0)
        lax.fori_loop(0, _PH, _body, 0)

    plsc.subcore_barrier()

    pltpu.sync_copy(agg_sh.at[pl.ds(rbase, _RPT)], out.at[c, pl.ds(rbase, _RPT)])

    @pl.when(s == _NS - 1)
    def _():
        pltpu.sync_copy(agg_sh.at[pl.ds(_NS * _RPT, _RTAIL)],
                        out.at[c, pl.ds(_NS * _RPT, _RTAIL)])


_spmm = functools.partial(
    pl.kernel,
    out_type=jax.ShapeDtypeStruct((_NC, _N_NODES, _D), jnp.float32),
    mesh=plsc.VectorSubcoreMesh(core_axis_name="c", subcore_axis_name="s"),
    scratch_types=[
        pltpu.VMEM((_PH, _CHUNK), jnp.int32),
        pltpu.VMEM((_PH, _CHUNK), jnp.int32),
        pltpu.VMEM((_CHUNK, _D), jnp.float32),
        pltpu.VMEM((_CHUNK, _D), jnp.float32),
        pltpu.VMEM_SHARED((_N_NODES, _D), jnp.float32),
        pltpu.SemaphoreType.DMA,
        pltpu.SemaphoreType.DMA,
    ],
)(_spmm_body)


_BLK = 1000
_NBLK = _N_NODES // _BLK


def _relu_kernel(x_ref, o_ref):
    o_ref[...] = jnp.maximum(x_ref[...], 0.0)


def _dense_kernel(x_ref, a0_ref, a1_ref, w_ref, b_ref, o_ref):
    h = x_ref[...] + a0_ref[...] + a1_ref[...]
    acc = jnp.dot(h, w_ref[...], preferred_element_type=jnp.float32)
    o_ref[...] = jnp.maximum(acc + b_ref[...], 0.0)


def _final_kernel(h_ref, a0_ref, a1_ref, w_ref, b_ref, bt_ref, wc_ref, bc_ref,
                  o_ref, acc_ref):
    i = pl.program_id(0)
    h = h_ref[...] + a0_ref[...] + a1_ref[...]
    h2 = jnp.maximum(
        jnp.dot(h, w_ref[...], preferred_element_type=jnp.float32) + b_ref[...], 0.0)
    onehot = (jnp.broadcast_to(bt_ref[...], (_BLK, _N_GRAPHS))
              == lax.broadcasted_iota(jnp.int32, (_BLK, _N_GRAPHS), 1)
              ).astype(jnp.float32)
    contrib = lax.dot_general(onehot, h2, (((0,), (0,)), ((), ())),
                              preferred_element_type=jnp.float32)

    @pl.when(i == 0)
    def _():
        acc_ref[...] = contrib

    @pl.when(i > 0)
    def _():
        acc_ref[...] = acc_ref[...] + contrib

    @pl.when(i == _NBLK - 1)
    def _():
        logits = jnp.dot(acc_ref[...], wc_ref[...],
                         preferred_element_type=jnp.float32) + bc_ref[...]
        o_ref[...] = jax.nn.sigmoid(logits)


def _relu(x):
    return pl.pallas_call(
        _relu_kernel,
        grid=(_NBLK,),
        in_specs=[pl.BlockSpec((_BLK, _D), lambda i: (i, 0))],
        out_specs=pl.BlockSpec((_BLK, _D), lambda i: (i, 0)),
        out_shape=jax.ShapeDtypeStruct((_N_NODES, _D), jnp.float32),
    )(x)


def _dense(x, a0, a1, W, b):
    return pl.pallas_call(
        _dense_kernel,
        grid=(_NBLK,),
        in_specs=[
            pl.BlockSpec((_BLK, _D), lambda i: (i, 0)),
            pl.BlockSpec((_BLK, _D), lambda i: (i, 0)),
            pl.BlockSpec((_BLK, _D), lambda i: (i, 0)),
            pl.BlockSpec((_D, _D), lambda i: (0, 0)),
            pl.BlockSpec((1, _D), lambda i: (0, 0)),
        ],
        out_specs=pl.BlockSpec((_BLK, _D), lambda i: (i, 0)),
        out_shape=jax.ShapeDtypeStruct((_N_NODES, _D), jnp.float32),
    )(x, a0, a1, W, b.reshape(1, _D))


def _final(h1, a0, a1, W2, b2, batch, Wc, bc):
    return pl.pallas_call(
        _final_kernel,
        grid=(_NBLK,),
        in_specs=[
            pl.BlockSpec((_BLK, _D), lambda i: (i, 0)),
            pl.BlockSpec((_BLK, _D), lambda i: (i, 0)),
            pl.BlockSpec((_BLK, _D), lambda i: (i, 0)),
            pl.BlockSpec((_D, _D), lambda i: (0, 0)),
            pl.BlockSpec((1, _D), lambda i: (0, 0)),
            pl.BlockSpec((_BLK, 1), lambda i: (i, 0)),
            pl.BlockSpec((_D, _D_OUT), lambda i: (0, 0)),
            pl.BlockSpec((1, _D_OUT), lambda i: (0, 0)),
        ],
        out_specs=pl.BlockSpec((_N_GRAPHS, _D_OUT), lambda i: (0, 0)),
        out_shape=jax.ShapeDtypeStruct((_N_GRAPHS, _D_OUT), jnp.float32),
        scratch_shapes=[pltpu.VMEM((_N_GRAPHS, _D), jnp.float32)],
    )(h1, a0, a1, W2, b2.reshape(1, _D), batch.astype(jnp.int32).reshape(_N_NODES, 1),
      Wc, bc.reshape(1, _D_OUT))


def kernel(x, edge_index, batch, W1, b1, W2, b2, Wc, bc):
    srcr = edge_index[0].astype(jnp.int32).reshape(_NCHT, _CHUNK)
    dstr = edge_index[1].astype(jnp.int32).reshape(_NCHT, _CHUNK)
    zeros = jnp.zeros((_N_NODES, _D), jnp.float32)

    r0 = _relu(x)
    agg1 = _spmm(r0, srcr, dstr, zeros)
    h1 = _dense(x, agg1[0], agg1[1], W1, b1)
    agg2 = _spmm(h1, srcr, dstr, zeros)
    return _final(h1, agg2[0], agg2[1], W2, b2, batch, Wc, bc)

# --- scband reference (transcript-rebuilt; emitter-appended) ---
"""Pipeline reference for scband-gnn-30803505447555 (READ-ONLY COPY).

The authoritative reference and input builder live on the scoring server;
editing this copy changes nothing except your own understanding.
"""

import jax, jax.numpy as jnp
import numpy as np

N_NODES = 10000
N_EDGES = 320000
D_IN = 128
D_HID = 128
D_OUT = 64
N_GRAPHS = 512


def setup_inputs(seed: int = 0) -> dict:
    key = jax.random.key(seed)
    ks = jax.random.split(key, 10)
    x = jax.random.normal(ks[0], (N_NODES, D_IN), dtype=jnp.float32)
    edge_index = jax.random.randint(ks[1], (2, N_EDGES), 0, N_NODES, dtype=jnp.int64)
    batch = jnp.sort(jax.random.randint(ks[2], (N_NODES,), 0, N_GRAPHS, dtype=jnp.int64))
    # GINEConv 1 linear (xavier-ish init)
    W1 = jax.random.normal(ks[3], (D_IN, D_HID), dtype=jnp.float32) * (1.0 / np.sqrt(D_IN))
    b1 = jnp.zeros((D_HID,), dtype=jnp.float32)
    # GINEConv 2 linear
    W2 = jax.random.normal(ks[4], (D_HID, D_HID), dtype=jnp.float32) * (1.0 / np.sqrt(D_HID))
    b2 = jnp.zeros((D_HID,), dtype=jnp.float32)
    # classifier
    Wc = jax.random.normal(ks[5], (D_HID, D_OUT), dtype=jnp.float32) * np.sqrt(2.0 / (D_HID + D_OUT))
    bc = jnp.full((D_OUT,), 0.1, dtype=jnp.float32)
    return {"x": x, "edge_index": edge_index, "batch": batch,
            "W1": W1, "b1": b1, "W2": W2, "b2": b2, "Wc": Wc, "bc": bc}


def _gine_conv(x, src, dst, W, b, n_nodes, eps=0.0):
    # GINE message: relu(x_j) (no edge_attr in this model), scatter-add to dst
    msg = jax.nn.relu(x[src])
    agg = jax.ops.segment_sum(msg, dst, num_segments=n_nodes)
    return ((1.0 + eps) * x + agg) @ W + b


def reference(x, edge_index, batch, W1, b1, W2, b2, Wc, bc):
    src = edge_index[0]
    dst = edge_index[1]
    h = _gine_conv(x, src, dst, W1, b1, N_NODES)
    h = jax.nn.relu(h)
    h = _gine_conv(h, src, dst, W2, b2, N_NODES)
    h = jax.nn.relu(h)
    pooled = jax.ops.segment_sum(h, batch, num_segments=N_GRAPHS)  # global_add_pool
    out = pooled @ Wc + bc
    return jax.nn.sigmoid(out)

if __name__ == "__main__":
    import jax
    _d = setup_inputs()
    print(jax.jit(kernel)(*tuple(_d.values())))

</pallas_src>

<mosaic_0001>
#map = affine_map<(d0, d1) -> (0, 0)>
#map1 = affine_map<(d0, d1) -> (0, 0, 0)>
module attributes {stable_mosaic.version = 14 : i64} {
  func.func @_spmm_body(%arg0: i32, %arg1: i32, %arg2: memref<10000x128xf32, #tpu.memory_space<hbm>>, %arg3: memref<2560x125xi32, #tpu.memory_space<hbm>>, %arg4: memref<2560x125xi32, #tpu.memory_space<hbm>>, %arg5: memref<10000x128xf32, #tpu.memory_space<hbm>>, %arg6: memref<2x10000x128xf32, #tpu.memory_space<hbm>>, %arg7: memref<40x125xi32, #tpu.memory_space<vmem>>, %arg8: memref<40x125xi32, #tpu.memory_space<vmem>>, %arg9: memref<125x128xf32, #tpu.memory_space<vmem>>, %arg10: memref<125x128xf32, #tpu.memory_space<vmem>>, %arg11: memref<10000x128xf32, #tpu.memory_space<vmem_shared>>, %arg12: memref<!tpu.dma_semaphore, #tpu.memory_space<semaphore_mem>>, %arg13: memref<!tpu.dma_semaphore, #tpu.memory_space<semaphore_mem>>) attributes {dimension_semantics = [#tpu.dimension_semantics<core_parallel>, #tpu.dimension_semantics<subcore_parallel>], iteration_bounds = array<i64: 2, 16>, scalar_prefetch = 0 : i64, scratch_operands = 7 : i64, tpu.core_type = #tpu.core_type<sc_vector_subcore>, window_params = [{transform_indices = #map}, {transform_indices = #map}, {transform_indices = #map}, {transform_indices = #map}, {transform_indices = #map1}]} {
    %mul3A = arith.constant 2 : i32
    %mul3A_0 = arith.muli %arg1, %mul3A : i32
    %add3A = arith.addi %mul3A_0, %arg0 : i32
    %mul3A_1 = arith.constant 624 : i32
    %mul3A_2 = arith.muli %arg1, %mul3A_1 : i32
    "tpu.region"() ({
      %run_scoped3A = tpu.sem_alloc : memref<!tpu.dma_semaphore, #tpu.memory_space<semaphore_mem>>
      %dma_start3A_43 = arith.constant 0 : i32
      %dma_start3A_44 = tpu.memref_slice %arg11[%mul3A_2, %dma_start3A_43] : memref<10000x128xf32, #tpu.memory_space<vmem_shared>> -> memref<624x128xf32, #tpu.memory_space<vmem_shared>>
      %dma_start3A_45 = arith.constant 0 : i32
      %dma_start3A_46 = tpu.memref_slice %arg5[%mul3A_2, %dma_start3A_45] : memref<10000x128xf32, #tpu.memory_space<hbm>> -> memref<624x128xf32, #tpu.memory_space<hbm>>
      tpu.enqueue_dma source(%dma_start3A_46 : memref<624x128xf32, #tpu.memory_space<hbm>>) target(%dma_start3A_44 : memref<624x128xf32, #tpu.memory_space<vmem_shared>>) target_semaphore(%run_scoped3A : memref<!tpu.dma_semaphore, #tpu.memory_space<semaphore_mem>>)
      %dma_wait3A = arith.constant 0 : i32
      %dma_wait3A_47 = tpu.memref_slice %arg11[%mul3A_2, %dma_wait3A] : memref<10000x128xf32, #tpu.memory_space<vmem_shared>> -> memref<624x128xf32, #tpu.memory_space<vmem_shared>>
      %dma_wait3A_48 = arith.constant 0 : i32
      %dma_wait3A_49 = tpu.memref_slice %arg5[%mul3A_2, %dma_wait3A_48] : memref<10000x128xf32, #tpu.memory_space<hbm>> -> memref<624x128xf32, #tpu.memory_space<hbm>>
      tpu.wait_dma2 semaphore(%run_scoped3A : memref<!tpu.dma_semaphore, #tpu.memory_space<semaphore_mem>>) src(%dma_wait3A_49 : memref<624x128xf32, #tpu.memory_space<hbm>>) dst(%dma_wait3A_47 : memref<624x128xf32, #tpu.memory_space<vmem_shared>>)
      tpu.yield
    }) : () -> ()
    %eq3A = arith.constant 15 : i32
    %eq3A_3 = arith.cmpi eq, %arg1, %eq3A : i32
    %convert_element_type3A = arith.extui %eq3A_3 : i1 to i32
    %cond3A = arith.constant 0 : i32
    %cond3A_4 = arith.cmpi ne, %convert_element_type3A, %cond3A : i32
    scf.if %cond3A_4 {
      "tpu.region"() ({
        %run_scoped3A = tpu.sem_alloc : memref<!tpu.dma_semaphore, #tpu.memory_space<semaphore_mem>>
        %dma_start3A_43 = arith.constant 9984 : i32
        %dma_start3A_44 = arith.constant 0 : i32
        %dma_start3A_45 = tpu.memref_slice %arg11[%dma_start3A_43, %dma_start3A_44] : memref<10000x128xf32, #tpu.memory_space<vmem_shared>> -> memref<16x128xf32, #tpu.memory_space<vmem_shared>>
        %dma_start3A_46 = arith.constant 9984 : i32
        %dma_start3A_47 = arith.constant 0 : i32
        %dma_start3A_48 = tpu.memref_slice %arg5[%dma_start3A_46, %dma_start3A_47] : memref<10000x128xf32, #tpu.memory_space<hbm>> -> memref<16x128xf32, #tpu.memory_space<hbm>>
        tpu.enqueue_dma source(%dma_start3A_48 : memref<16x128xf32, #tpu.memory_space<hbm>>) target(%dma_start3A_45 : memref<16x128xf32, #tpu.memory_space<vmem_shared>>) target_semaphore(%run_scoped3A : memref<!tpu.dma_semaphore, #tpu.memory_space<semaphore_mem>>)
        %dma_wait3A = arith.constant 9984 : i32
        %dma_wait3A_49 = arith.constant 0 : i32
        %dma_wait3A_50 = tpu.memref_slice %arg11[%dma_wait3A, %dma_wait3A_49] : memref<10000x128xf32, #tpu.memory_space<vmem_shared>> -> memref<16x128xf32, #tpu.memory_space<vmem_shared>>
        %dma_wait3A_51 = arith.constant 9984 : i32
        %dma_wait3A_52 = arith.constant 0 : i32
        %dma_wait3A_53 = tpu.memref_slice %arg5[%dma_wait3A_51, %dma_wait3A_52] : memref<10000x128xf32, #tpu.memory_space<hbm>> -> memref<16x128xf32, #tpu.memory_space<hbm>>
        tpu.wait_dma2 semaphore(%run_scoped3A : memref<!tpu.dma_semaphore, #tpu.memory_space<semaphore_mem>>) src(%dma_wait3A_53 : memref<16x128xf32, #tpu.memory_space<hbm>>) dst(%dma_wait3A_50 : memref<16x128xf32, #tpu.memory_space<vmem_shared>>)
        tpu.yield
      }) : () -> ()
    } else {
    }
    %barrier3A = arith.constant 0 : index
    tpu.barrier barrier_id(%barrier3A)
    %mul3A_5 = arith.constant 80 : i32
    %mul3A_6 = arith.muli %add3A, %mul3A_5 : i32
    %add3A_7 = arith.constant 0 : i32
    %add3A_8 = arith.addi %mul3A_6, %add3A_7 : i32
    "tpu.region"() ({
      %run_scoped3A = tpu.sem_alloc : memref<!tpu.dma_semaphore, #tpu.memory_space<semaphore_mem>>
      %dma_start3A_43 = arith.constant 0 : i32
      %dma_start3A_44 = tpu.memref_slice %arg3[%add3A_8, %dma_start3A_43] : memref<2560x125xi32, #tpu.memory_space<hbm>> -> memref<40x125xi32, #tpu.memory_space<hbm>>
      %dma_start3A_45 = arith.constant 0 : i32
      %dma_start3A_46 = tpu.memref_slice %arg3[%add3A_8, %dma_start3A_45] : memref<2560x125xi32, #tpu.memory_space<hbm>> -> memref<40x125xi32, #tpu.memory_space<hbm>>
      tpu.enqueue_dma source(%dma_start3A_46 : memref<40x125xi32, #tpu.memory_space<hbm>>) target(%arg7 : memref<40x125xi32, #tpu.memory_space<vmem>>) target_semaphore(%run_scoped3A : memref<!tpu.dma_semaphore, #tpu.memory_space<semaphore_mem>>)
      %dma_wait3A = arith.constant 0 : i32
      %dma_wait3A_47 = tpu.memref_slice %arg3[%add3A_8, %dma_wait3A] : memref<2560x125xi32, #tpu.memory_space<hbm>> -> memref<40x125xi32, #tpu.memory_space<hbm>>
      %dma_wait3A_48 = arith.constant 0 : i32
      %dma_wait3A_49 = tpu.memref_slice %arg3[%add3A_8, %dma_wait3A_48] : memref<2560x125xi32, #tpu.memory_space<hbm>> -> memref<40x125xi32, #tpu.memory_space<hbm>>
      tpu.wait_dma2 semaphore(%run_scoped3A : memref<!tpu.dma_semaphore, #tpu.memory_space<semaphore_mem>>) src(%dma_wait3A_49 : memref<40x125xi32, #tpu.memory_space<hbm>>) dst(%arg7 : memref<40x125xi32, #tpu.memory_space<vmem>>)
      tpu.yield
    }) : () -> ()
    "tpu.region"() ({
      %run_scoped3A = tpu.sem_alloc : memref<!tpu.dma_semaphore, #tpu.memory_space<semaphore_mem>>
      %dma_start3A_43 = arith.constant 0 : i32
      %dma_start3A_44 = tpu.memref_slice %arg4[%add3A_8, %dma_start3A_43] : memref<2560x125xi32, #tpu.memory_space<hbm>> -> memref<40x125xi32, #tpu.memory_space<hbm>>
      %dma_start3A_45 = arith.constant 0 : i32
      %dma_start3A_46 = tpu.memref_slice %arg4[%add3A_8, %dma_start3A_45] : memref<2560x125xi32, #tpu.memory_space<hbm>> -> memref<40x125xi32, #tpu.memory_space<hbm>>
      tpu.enqueue_dma source(%dma_start3A_46 : memref<40x125xi32, #tpu.memory_space<hbm>>) target(%arg8 : memref<40x125xi32, #tpu.memory_space<vmem>>) target_semaphore(%run_scoped3A : memref<!tpu.dma_semaphore, #tpu.memory_space<semaphore_mem>>)
      %dma_wait3A = arith.constant 0 : i32
      %dma_wait3A_47 = tpu.memref_slice %arg4[%add3A_8, %dma_wait3A] : memref<2560x125xi32, #tpu.memory_space<hbm>> -> memref<40x125xi32, #tpu.memory_space<hbm>>
      %dma_wait3A_48 = arith.constant 0 : i32
      %dma_wait3A_49 = tpu.memref_slice %arg4[%add3A_8, %dma_wait3A_48] : memref<2560x125xi32, #tpu.memory_space<hbm>> -> memref<40x125xi32, #tpu.memory_space<hbm>>
      tpu.wait_dma2 semaphore(%run_scoped3A : memref<!tpu.dma_semaphore, #tpu.memory_space<semaphore_mem>>) src(%dma_wait3A_49 : memref<40x125xi32, #tpu.memory_space<hbm>>) dst(%arg8 : memref<40x125xi32, #tpu.memory_space<vmem>>)
      tpu.yield
    }) : () -> ()
    %dma_start3A = arith.constant 0 : i32
    %dma_start3A_9 = arith.constant 0 : i32
    %dma_start3A_10 = tpu.memref_slice %arg7[%dma_start3A, %dma_start3A_9] : memref<40x125xi32, #tpu.memory_space<vmem>> -> memref<1x125xi32, #tpu.memory_space<vmem>>
    %dma_start3A_11 = tpu.memref_squeeze %dma_start3A_10 : memref<1x125xi32, #tpu.memory_space<vmem>> -> memref<125xi32, #tpu.memory_space<vmem>>
    %dma_start3A_12 = arith.constant 0 : i32
    %dma_start3A_13 = arith.constant 0 : i32
    %dma_start3A_14 = tpu.memref_slice %arg2[%dma_start3A_12, %dma_start3A_13] : memref<10000x128xf32, #tpu.memory_space<hbm>> -> memref<10000x128xf32, #tpu.memory_space<hbm>>
    tpu.enqueue_indirect_dma source(%dma_start3A_14 : memref<10000x128xf32, #tpu.memory_space<hbm>>) target(%arg9 : memref<125x128xf32, #tpu.memory_space<vmem>>) offsets(%dma_start3A_11 : memref<125xi32, #tpu.memory_space<vmem>>) semaphore(%arg12 : memref<!tpu.dma_semaphore, #tpu.memory_space<semaphore_mem>>)
    %scan3A = arith.constant 0 : i32
    %scan3A_15 = arith.constant 0 : i32
    %scan3A_16 = arith.constant 40 : i32
    %scan3A_17 = arith.addi %scan3A_15, %scan3A_16 : i32
    %scan3A_18 = arith.constant 1 : i32
    scf.for %scan3A_43 = %scan3A_15 to %scan3A_17 step %scan3A_18  : i32 {
      %jit3A = arith.constant 2 : i32
      %eq3A_44 = arith.constant 0 : i32
      %eq3A_45 = arith.cmpi eq, %jit3A, %eq3A_44 : i32
      %jit3A_46 = arith.constant 1 : i32
      %select_n3A = arith.select %eq3A_45, %jit3A_46, %jit3A : i32
      %rem3A = arith.remsi %scan3A_43, %select_n3A : i32
      %ne3A = arith.constant 0 : i32
      %ne3A_47 = arith.cmpi ne, %rem3A, %ne3A : i32
      %lt3A = arith.constant 0 : i32
      %lt3A_48 = arith.cmpi slt, %rem3A, %lt3A : i32
      %lt3A_49 = arith.constant 0 : i32
      %lt3A_50 = arith.cmpi slt, %select_n3A, %lt3A_49 : i32
      %ne3A_51 = arith.xori %lt3A_48, %lt3A_50 : i1
      %and3A = arith.andi %ne3A_51, %ne3A_47 : i1
      %add3A_52 = arith.addi %rem3A, %select_n3A : i32
      %select_n3A_53 = arith.select %and3A, %add3A_52, %rem3A : i32
      %eq3A_54 = arith.constant 0 : i32
      %eq3A_55 = arith.cmpi eq, %select_n3A_53, %eq3A_54 : i32
      %convert_element_type3A_56 = arith.extui %eq3A_55 : i1 to i32
      %cond3A_57 = arith.constant 0 : i32
      %cond3A_58 = arith.cmpi ne, %convert_element_type3A_56, %cond3A_57 : i32
      scf.if %cond3A_58 {
        %dma_wait3A = arith.constant 0 : i32
        %dma_wait3A_80 = tpu.memref_slice %arg7[%scan3A_43, %dma_wait3A] : memref<40x125xi32, #tpu.memory_space<vmem>> -> memref<1x125xi32, #tpu.memory_space<vmem>>
        %dma_wait3A_81 = tpu.memref_squeeze %dma_wait3A_80 : memref<1x125xi32, #tpu.memory_space<vmem>> -> memref<125xi32, #tpu.memory_space<vmem>>
        %dma_wait3A_82 = arith.constant 0 : i32
        %dma_wait3A_83 = arith.constant 0 : i32
        %dma_wait3A_84 = tpu.memref_slice %arg2[%dma_wait3A_82, %dma_wait3A_83] : memref<10000x128xf32, #tpu.memory_space<hbm>> -> memref<10000x128xf32, #tpu.memory_space<hbm>>
        tpu.wait_indirect_dma semaphore(%arg12 : memref<!tpu.dma_semaphore, #tpu.memory_space<semaphore_mem>>) src(%dma_wait3A_84 : memref<10000x128xf32, #tpu.memory_space<hbm>>) dst(%arg9 : memref<125x128xf32, #tpu.memory_space<vmem>>)
        %add3A_85 = arith.constant 1 : i32
        %add3A_86 = arith.addi %scan3A_43, %add3A_85 : i32
        %lt3A_87 = arith.constant 40 : i32
        %lt3A_88 = arith.cmpi slt, %add3A_86, %lt3A_87 : i32
        %convert_element_type3A_89 = arith.extui %lt3A_88 : i1 to i32
        %cond3A_90 = arith.constant 0 : i32
        %cond3A_91 = arith.cmpi ne, %convert_element_type3A_89, %cond3A_90 : i32
        scf.if %cond3A_91 {
          %add3A_92 = arith.constant 1 : i32
          %add3A_93 = arith.addi %scan3A_43, %add3A_92 : i32
          %dma_start3A_94 = arith.constant 0 : i32
          %dma_start3A_95 = tpu.memref_slice %arg7[%add3A_93, %dma_start3A_94] : memref<40x125xi32, #tpu.memory_space<vmem>> -> memref<1x125xi32, #tpu.memory_space<vmem>>
          %dma_start3A_96 = tpu.memref_squeeze %dma_start3A_95 : memref<1x125xi32, #tpu.memory_space<vmem>> -> memref<125xi32, #tpu.memory_space<vmem>>
          %dma_start3A_97 = arith.constant 0 : i32
          %dma_start3A_98 = arith.constant 0 : i32
          %dma_start3A_99 = tpu.memref_slice %arg2[%dma_start3A_97, %dma_start3A_98] : memref<10000x128xf32, #tpu.memory_space<hbm>> -> memref<10000x128xf32, #tpu.memory_space<hbm>>
          tpu.enqueue_indirect_dma source(%dma_start3A_99 : memref<10000x128xf32, #tpu.memory_space<hbm>>) target(%arg10 : memref<125x128xf32, #tpu.memory_space<vmem>>) offsets(%dma_start3A_96 : memref<125xi32, #tpu.memory_space<vmem>>) semaphore(%arg13 : memref<!tpu.dma_semaphore, #tpu.memory_space<semaphore_mem>>)
        } else {
        }
        "tpu.region"() ({
          %run_scoped3A = tpu.sem_alloc : memref<!tpu.dma_semaphore, #tpu.memory_space<semaphore_mem>>
          %dma_start3A_92 = arith.constant 0 : i32
          %dma_start3A_93 = tpu.memref_slice %arg8[%scan3A_43, %dma_start3A_92] : memref<40x125xi32, #tpu.memory_space<vmem>> -> memref<1x125xi32, #tpu.memory_space<vmem>>
          %dma_start3A_94 = tpu.memref_squeeze %dma_start3A_93 : memref<1x125xi32, #tpu.memory_space<vmem>> -> memref<125xi32, #tpu.memory_space<vmem>>
          %dma_start3A_95 = arith.constant 0 : i32
          %dma_start3A_96 = arith.constant 0 : i32
          %dma_start3A_97 = tpu.memref_slice %arg11[%dma_start3A_95, %dma_start3A_96] : memref<10000x128xf32, #tpu.memory_space<vmem_shared>> -> memref<10000x128xf32, #tpu.memory_space<vmem_shared>>
          tpu.enqueue_indirect_dma source(%arg9 : memref<125x128xf32, #tpu.memory_space<vmem>>) target(%dma_start3A_97 : memref<10000x128xf32, #tpu.memory_space<vmem_shared>>) offsets(%dma_start3A_94 : memref<125xi32, #tpu.memory_space<vmem>>) semaphore(%run_scoped3A : memref<!tpu.dma_semaphore, #tpu.memory_space<semaphore_mem>>) {add = true}
          %dma_wait3A_98 = arith.constant 0 : i32
          %dma_wait3A_99 = tpu.memref_slice %arg8[%scan3A_43, %dma_wait3A_98] : memref<40x125xi32, #tpu.memory_space<vmem>> -> memref<1x125xi32, #tpu.memory_space<vmem>>
          %dma_wait3A_100 = tpu.memref_squeeze %dma_wait3A_99 : memref<1x125xi32, #tpu.memory_space<vmem>> -> memref<125xi32, #tpu.memory_space<vmem>>
          %dma_wait3A_101 = arith.constant 0 : i32
          %dma_wait3A_102 = arith.constant 0 : i32
          %dma_wait3A_103 = tpu.memref_slice %arg11[%dma_wait3A_101, %dma_wait3A_102] : memref<10000x128xf32, #tpu.memory_space<vmem_shared>> -> memref<10000x128xf32, #tpu.memory_space<vmem_shared>>
          tpu.wait_indirect_dma semaphore(%run_scoped3A : memref<!tpu.dma_semaphore, #tpu.memory_space<semaphore_mem>>) src(%arg9 : memref<125x128xf32, #tpu.memory_space<vmem>>) dst(%dma_wait3A_103 : memref<10000x128xf32, #tpu.memory_space<vmem_shared>>)
          tpu.yield
        }) : () -> ()
      } else {
      }
      %jit3A_59 = arith.constant 2 : i32
      %eq3A_60 = arith.constant 0 : i32
      %eq3A_61 = arith.cmpi eq, %jit3A_59, %eq3A_60 : i32
      %jit3A_62 = arith.constant 1 : i32
      %select_n3A_63 = arith.select %eq3A_61, %jit3A_62, %jit3A_59 : i32
      %rem3A_64 = arith.remsi %scan3A_43, %select_n3A_63 : i32
      %ne3A_65 = arith.constant 0 : i32
      %ne3A_66 = arith.cmpi ne, %rem3A_64, %ne3A_65 : i32
      %lt3A_67 = arith.constant 0 : i32
      %lt3A_68 = arith.cmpi slt, %rem3A_64, %lt3A_67 : i32
      %lt3A_69 = arith.constant 0 : i32
      %lt3A_70 = arith.cmpi slt, %select_n3A_63, %lt3A_69 : i32
      %ne3A_71 = arith.xori %lt3A_68, %lt3A_70 : i1
      %and3A_72 = arith.andi %ne3A_71, %ne3A_66 : i1
      %add3A_73 = arith.addi %rem3A_64, %select_n3A_63 : i32
      %select_n3A_74 = arith.select %and3A_72, %add3A_73, %rem3A_64 : i32
      %eq3A_75 = arith.constant 1 : i32
      %eq3A_76 = arith.cmpi eq, %select_n3A_74, %eq3A_75 : i32
      %convert_element_type3A_77 = arith.extui %eq3A_76 : i1 to i32
      %cond3A_78 = arith.constant 0 : i32
      %cond3A_79 = arith.cmpi ne, %convert_element_type3A_77, %cond3A_78 : i32
      scf.if %cond3A_79 {
        %dma_wait3A = arith.constant 0 : i32
        %dma_wait3A_80 = tpu.memref_slice %arg7[%scan3A_43, %dma_wait3A] : memref<40x125xi32, #tpu.memory_space<vmem>> -> memref<1x125xi32, #tpu.memory_space<vmem>>
        %dma_wait3A_81 = tpu.memref_squeeze %dma_wait3A_80 : memref<1x125xi32, #tpu.memory_space<vmem>> -> memref<125xi32, #tpu.memory_space<vmem>>
        %dma_wait3A_82 = arith.constant 0 : i32
        %dma_wait3A_83 = arith.constant 0 : i32
        %dma_wait3A_84 = tpu.memref_slice %arg2[%dma_wait3A_82, %dma_wait3A_83] : memref<10000x128xf32, #tpu.memory_space<hbm>> -> memref<10000x128xf32, #tpu.memory_space<hbm>>
        tpu.wait_indirect_dma semaphore(%arg13 : memref<!tpu.dma_semaphore, #tpu.memory_space<semaphore_mem>>) src(%dma_wait3A_84 : memref<10000x128xf32, #tpu.memory_space<hbm>>) dst(%arg10 : memref<125x128xf32, #tpu.memory_space<vmem>>)
        %add3A_85 = arith.constant 1 : i32
        %add3A_86 = arith.addi %scan3A_43, %add3A_85 : i32
        %lt3A_87 = arith.constant 40 : i32
        %lt3A_88 = arith.cmpi slt, %add3A_86, %lt3A_87 : i32
        %convert_element_type3A_89 = arith.extui %lt3A_88 : i1 to i32
        %cond3A_90 = arith.constant 0 : i32
        %cond3A_91 = arith.cmpi ne, %convert_element_type3A_89, %cond3A_90 : i32
        scf.if %cond3A_91 {
          %add3A_92 = arith.constant 1 : i32
          %add3A_93 = arith.addi %scan3A_43, %add3A_92 : i32
          %dma_start3A_94 = arith.constant 0 : i32
          %dma_start3A_95 = tpu.memref_slice %arg7[%add3A_93, %dma_start3A_94] : memref<40x125xi32, #tpu.memory_space<vmem>> -> memref<1x125xi32, #tpu.memory_space<vmem>>
          %dma_start3A_96 = tpu.memref_squeeze %dma_start3A_95 : memref<1x125xi32, #tpu.memory_space<vmem>> -> memref<125xi32, #tpu.memory_space<vmem>>
          %dma_start3A_97 = arith.constant 0 : i32
          %dma_start3A_98 = arith.constant 0 : i32
          %dma_start3A_99 = tpu.memref_slice %arg2[%dma_start3A_97, %dma_start3A_98] : memref<10000x128xf32, #tpu.memory_space<hbm>> -> memref<10000x128xf32, #tpu.memory_space<hbm>>
          tpu.enqueue_indirect_dma source(%dma_start3A_99 : memref<10000x128xf32, #tpu.memory_space<hbm>>) target(%arg9 : memref<125x128xf32, #tpu.memory_space<vmem>>) offsets(%dma_start3A_96 : memref<125xi32, #tpu.memory_space<vmem>>) semaphore(%arg12 : memref<!tpu.dma_semaphore, #tpu.memory_space<semaphore_mem>>)
        } else {
        }
        "tpu.region"() ({
          %run_scoped3A = tpu.sem_alloc : memref<!tpu.dma_semaphore, #tpu.memory_space<semaphore_mem>>
          %dma_start3A_92 = arith.constant 0 : i32
          %dma_start3A_93 = tpu.memref_slice %arg8[%scan3A_43, %dma_start3A_92] : memref<40x125xi32, #tpu.memory_space<vmem>> -> memref<1x125xi32, #tpu.memory_space<vmem>>
          %dma_start3A_94 = tpu.memref_squeeze %dma_start3A_93 : memref<1x125xi32, #tpu.memory_space<vmem>> -> memref<125xi32, #tpu.memory_space<vmem>>
          %dma_start3A_95 = arith.constant 0 : i32
          %dma_start3A_96 = arith.constant 0 : i32
          %dma_start3A_97 = tpu.memref_slice %arg11[%dma_start3A_95, %dma_start3A_96] : memref<10000x128xf32, #tpu.memory_space<vmem_shared>> -> memref<10000x128xf32, #tpu.memory_space<vmem_shared>>
          tpu.enqueue_indirect_dma source(%arg10 : memref<125x128xf32, #tpu.memory_space<vmem>>) target(%dma_start3A_97 : memref<10000x128xf32, #tpu.memory_space<vmem_shared>>) offsets(%dma_start3A_94 : memref<125xi32, #tpu.memory_space<vmem>>) semaphore(%run_scoped3A : memref<!tpu.dma_semaphore, #tpu.memory_space<semaphore_mem>>) {add = true}
          %dma_wait3A_98 = arith.constant 0 : i32
          %dma_wait3A_99 = tpu.memref_slice %arg8[%scan3A_43, %dma_wait3A_98] : memref<40x125xi32, #tpu.memory_space<vmem>> -> memref<1x125xi32, #tpu.memory_space<vmem>>
          %dma_wait3A_100 = tpu.memref_squeeze %dma_wait3A_99 : memref<1x125xi32, #tpu.memory_space<vmem>> -> memref<125xi32, #tpu.memory_space<vmem>>
          %dma_wait3A_101 = arith.constant 0 : i32
          %dma_wait3A_102 = arith.constant 0 : i32
          %dma_wait3A_103 = tpu.memref_slice %arg11[%dma_wait3A_101, %dma_wait3A_102] : memref<10000x128xf32, #tpu.memory_space<vmem_shared>> -> memref<10000x128xf32, #tpu.memory_space<vmem_shared>>
          tpu.wait_indirect_dma semaphore(%run_scoped3A : memref<!tpu.dma_semaphore, #tpu.memory_space<semaphore_mem>>) src(%arg10 : memref<125x128xf32, #tpu.memory_space<vmem>>) dst(%dma_wait3A_103 : memref<10000x128xf32, #tpu.memory_space<vmem_shared>>)
          tpu.yield
        }) : () -> ()
      } else {
      }
    }
    %scan3A_19 = arith.constant 40 : i32
    %mul3A_20 = arith.constant 80 : i32
    %mul3A_21 = arith.muli %add3A, %mul3A_20 : i32
    %add3A_22 = arith.constant 40 : i32
    %add3A_23 = arith.addi %mul3A_21, %add3A_22 : i32
    "tpu.region"() ({
      %run_scoped3A = tpu.sem_alloc : memref<!tpu.dma_semaphore, #tpu.memory_space<semaphore_mem>>
      %dma_start3A_43 = arith.constant 0 : i32
      %dma_start3A_44 = tpu.memref_slice %arg3[%add3A_23, %dma_start3A_43] : memref<2560x125xi32, #tpu.memory_space<hbm>> -> memref<40x125xi32, #tpu.memory_space<hbm>>
      %dma_start3A_45 = arith.constant 0 : i32
      %dma_start3A_46 = tpu.memref_slice %arg3[%add3A_23, %dma_start3A_45] : memref<2560x125xi32, #tpu.memory_space<hbm>> -> memref<40x125xi32, #tpu.memory_space<hbm>>
      tpu.enqueue_dma source(%dma_start3A_46 : memref<40x125xi32, #tpu.memory_space<hbm>>) target(%arg7 : memref<40x125xi32, #tpu.memory_space<vmem>>) target_semaphore(%run_scoped3A : memref<!tpu.dma_semaphore, #tpu.memory_space<semaphore_mem>>)
      %dma_wait3A = arith.constant 0 : i32
      %dma_wait3A_47 = tpu.memref_slice %arg3[%add3A_23, %dma_wait3A] : memref<2560x125xi32, #tpu.memory_space<hbm>> -> memref<40x125xi32, #tpu.memory_space<hbm>>
      %dma_wait3A_48 = arith.constant 0 : i32
      %dma_wait3A_49 = tpu.memref_slice %arg3[%add3A_23, %dma_wait3A_48] : memref<2560x125xi32, #tpu.memory_space<hbm>> -> memref<40x125xi32, #tpu.memory_space<hbm>>
      tpu.wait_dma2 semaphore(%run_scoped3A : memref<!tpu.dma_semaphore, #tpu.memory_space<semaphore_mem>>) src(%dma_wait3A_49 : memref<40x125xi32, #tpu.memory_space<hbm>>) dst(%arg7 : memref<40x125xi32, #tpu.memory_space<vmem>>)
      tpu.yield
    }) : () -> ()
    "tpu.region"() ({
      %run_scoped3A = tpu.sem_alloc : memref<!tpu.dma_semaphore, #tpu.memory_space<semaphore_mem>>
      %dma_start3A_43 = arith.constant 0 : i32
      %dma_start3A_44 = tpu.memref_slice %arg4[%add3A_23, %dma_start3A_43] : memref<2560x125xi32, #tpu.memory_space<hbm>> -> memref<40x125xi32, #tpu.memory_space<hbm>>
      %dma_start3A_45 = arith.constant 0 : i32
      %dma_start3A_46 = tpu.memref_slice %arg4[%add3A_23, %dma_start3A_45] : memref<2560x125xi32, #tpu.memory_space<hbm>> -> memref<40x125xi32, #tpu.memory_space<hbm>>
      tpu.enqueue_dma source(%dma_start3A_46 : memref<40x125xi32, #tpu.memory_space<hbm>>) target(%arg8 : memref<40x125xi32, #tpu.memory_space<vmem>>) target_semaphore(%run_scoped3A : memref<!tpu.dma_semaphore, #tpu.memory_space<semaphore_mem>>)
      %dma_wait3A = arith.constant 0 : i32
      %dma_wait3A_47 = tpu.memref_slice %arg4[%add3A_23, %dma_wait3A] : memref<2560x125xi32, #tpu.memory_space<hbm>> -> memref<40x125xi32, #tpu.memory_space<hbm>>
      %dma_wait3A_48 = arith.constant 0 : i32
      %dma_wait3A_49 = tpu.memref_slice %arg4[%add3A_23, %dma_wait3A_48] : memref<2560x125xi32, #tpu.memory_space<hbm>> -> memref<40x125xi32, #tpu.memory_space<hbm>>
      tpu.wait_dma2 semaphore(%run_scoped3A : memref<!tpu.dma_semaphore, #tpu.memory_space<semaphore_mem>>) src(%dma_wait3A_49 : memref<40x125xi32, #tpu.memory_space<hbm>>) dst(%arg8 : memref<40x125xi32, #tpu.memory_space<vmem>>)
      tpu.yield
    }) : () -> ()
    %dma_start3A_24 = arith.constant 0 : i32
    %dma_start3A_25 = arith.constant 0 : i32
    %dma_start3A_26 = tpu.memref_slice %arg7[%dma_start3A_24, %dma_start3A_25] : memref<40x125xi32, #tpu.memory_space<vmem>> -> memref<1x125xi32, #tpu.memory_space<vmem>>
    %dma_start3A_27 = tpu.memref_squeeze %dma_start3A_26 : memref<1x125xi32, #tpu.memory_space<vmem>> -> memref<125xi32, #tpu.memory_space<vmem>>
    %dma_start3A_28 = arith.constant 0 : i32
    %dma_start3A_29 = arith.constant 0 : i32
    %dma_start3A_30 = tpu.memref_slice %arg2[%dma_start3A_28, %dma_start3A_29] : memref<10000x128xf32, #tpu.memory_space<hbm>> -> memref<10000x128xf32, #tpu.memory_space<hbm>>
    tpu.enqueue_indirect_dma source(%dma_start3A_30 : memref<10000x128xf32, #tpu.memory_space<hbm>>) target(%arg9 : memref<125x128xf32, #tpu.memory_space<vmem>>) offsets(%dma_start3A_27 : memref<125xi32, #tpu.memory_space<vmem>>) semaphore(%arg12 : memref<!tpu.dma_semaphore, #tpu.memory_space<semaphore_mem>>)
    %scan3A_31 = arith.constant 0 : i32
    %scan3A_32 = arith.constant 0 : i32
    %scan3A_33 = arith.constant 40 : i32
    %scan3A_34 = arith.addi %scan3A_32, %scan3A_33 : i32
    %scan3A_35 = arith.constant 1 : i32
    scf.for %scan3A_43 = %scan3A_32 to %scan3A_34 step %scan3A_35  : i32 {
      %jit3A = arith.constant 2 : i32
      %eq3A_44 = arith.constant 0 : i32
      %eq3A_45 = arith.cmpi eq, %jit3A, %eq3A_44 : i32
      %jit3A_46 = arith.constant 1 : i32
      %select_n3A = arith.select %eq3A_45, %jit3A_46, %jit3A : i32
      %rem3A = arith.remsi %scan3A_43, %select_n3A : i32
      %ne3A = arith.constant 0 : i32
      %ne3A_47 = arith.cmpi ne, %rem3A, %ne3A : i32
      %lt3A = arith.constant 0 : i32
      %lt3A_48 = arith.cmpi slt, %rem3A, %lt3A : i32
      %lt3A_49 = arith.constant 0 : i32
      %lt3A_50 = arith.cmpi slt, %select_n3A, %lt3A_49 : i32
      %ne3A_51 = arith.xori %lt3A_48, %lt3A_50 : i1
      %and3A = arith.andi %ne3A_51, %ne3A_47 : i1
      %add3A_52 = arith.addi %rem3A, %select_n3A : i32
      %select_n3A_53 = arith.select %and3A, %add3A_52, %rem3A : i32
      %eq3A_54 = arith.constant 0 : i32
      %eq3A_55 = arith.cmpi eq, %select_n3A_53, %eq3A_54 : i32
      %convert_element_type3A_56 = arith.extui %eq3A_55 : i1 to i32
      %cond3A_57 = arith.constant 0 : i32
      %cond3A_58 = arith.cmpi ne, %convert_element_type3A_56, %cond3A_57 : i32
      scf.if %cond3A_58 {
        %dma_wait3A = arith.constant 0 : i32
        %dma_wait3A_80 = tpu.memref_slice %arg7[%scan3A_43, %dma_wait3A] : memref<40x125xi32, #tpu.memory_space<vmem>> -> memref<1x125xi32, #tpu.memory_space<vmem>>
        %dma_wait3A_81 = tpu.memref_squeeze %dma_wait3A_80 : memref<1x125xi32, #tpu.memory_space<vmem>> -> memref<125xi32, #tpu.memory_space<vmem>>
        %dma_wait3A_82 = arith.constant 0 : i32
        %dma_wait3A_83 = arith.constant 0 : i32
        %dma_wait3A_84 = tpu.memref_slice %arg2[%dma_wait3A_82, %dma_wait3A_83] : memref<10000x128xf32, #tpu.memory_space<hbm>> -> memref<10000x128xf32, #tpu.memory_space<hbm>>
        tpu.wait_indirect_dma semaphore(%arg12 : memref<!tpu.dma_semaphore, #tpu.memory_space<semaphore_mem>>) src(%dma_wait3A_84 : memref<10000x128xf32, #tpu.memory_space<hbm>>) dst(%arg9 : memref<125x128xf32, #tpu.memory_space<vmem>>)
        %add3A_85 = arith.constant 1 : i32
        %add3A_86 = arith.addi %scan3A_43, %add3A_85 : i32
        %lt3A_87 = arith.constant 40 : i32
        %lt3A_88 = arith.cmpi slt, %add3A_86, %lt3A_87 : i32
        %convert_element_type3A_89 = arith.extui %lt3A_88 : i1 to i32
        %cond3A_90 = arith.constant 0 : i32
        %cond3A_91 = arith.cmpi ne, %convert_element_type3A_89, %cond3A_90 : i32
        scf.if %cond3A_91 {
          %add3A_92 = arith.constant 1 : i32
          %add3A_93 = arith.addi %scan3A_43, %add3A_92 : i32
          %dma_start3A_94 = arith.constant 0 : i32
          %dma_start3A_95 = tpu.memref_slice %arg7[%add3A_93, %dma_start3A_94] : memref<40x125xi32, #tpu.memory_space<vmem>> -> memref<1x125xi32, #tpu.memory_space<vmem>>
          %dma_start3A_96 = tpu.memref_squeeze %dma_start3A_95 : memref<1x125xi32, #tpu.memory_space<vmem>> -> memref<125xi32, #tpu.memory_space<vmem>>
          %dma_start3A_97 = arith.constant 0 : i32
          %dma_start3A_98 = arith.constant 0 : i32
          %dma_start3A_99 = tpu.memref_slice %arg2[%dma_start3A_97, %dma_start3A_98] : memref<10000x128xf32, #tpu.memory_space<hbm>> -> memref<10000x128xf32, #tpu.memory_space<hbm>>
          tpu.enqueue_indirect_dma source(%dma_start3A_99 : memref<10000x128xf32, #tpu.memory_space<hbm>>) target(%arg10 : memref<125x128xf32, #tpu.memory_space<vmem>>) offsets(%dma_start3A_96 : memref<125xi32, #tpu.memory_space<vmem>>) semaphore(%arg13 : memref<!tpu.dma_semaphore, #tpu.memory_space<semaphore_mem>>)
        } else {
        }
        "tpu.region"() ({
          %run_scoped3A = tpu.sem_alloc : memref<!tpu.dma_semaphore, #tpu.memory_space<semaphore_mem>>
          %dma_start3A_92 = arith.constant 0 : i32
          %dma_start3A_93 = tpu.memref_slice %arg8[%scan3A_43, %dma_start3A_92] : memref<40x125xi32, #tpu.memory_space<vmem>> -> memref<1x125xi32, #tpu.memory_space<vmem>>
          %dma_start3A_94 = tpu.memref_squeeze %dma_start3A_93 : memref<1x125xi32, #tpu.memory_space<vmem>> -> memref<125xi32, #tpu.memory_space<vmem>>
          %dma_start3A_95 = arith.constant 0 : i32
          %dma_start3A_96 = arith.constant 0 : i32
          %dma_start3A_97 = tpu.memref_slice %arg11[%dma_start3A_95, %dma_start3A_96] : memref<10000x128xf32, #tpu.memory_space<vmem_shared>> -> memref<10000x128xf32, #tpu.memory_space<vmem_shared>>
          tpu.enqueue_indirect_dma source(%arg9 : memref<125x128xf32, #tpu.memory_space<vmem>>) target(%dma_start3A_97 : memref<10000x128xf32, #tpu.memory_space<vmem_shared>>) offsets(%dma_start3A_94 : memref<125xi32, #tpu.memory_space<vmem>>) semaphore(%run_scoped3A : memref<!tpu.dma_semaphore, #tpu.memory_space<semaphore_mem>>) {add = true}
          %dma_wait3A_98 = arith.constant 0 : i32
          %dma_wait3A_99 = tpu.memref_slice %arg8[%scan3A_43, %dma_wait3A_98] : memref<40x125xi32, #tpu.memory_space<vmem>> -> memref<1x125xi32, #tpu.memory_space<vmem>>
          %dma_wait3A_100 = tpu.memref_squeeze %dma_wait3A_99 : memref<1x125xi32, #tpu.memory_space<vmem>> -> memref<125xi32, #tpu.memory_space<vmem>>
          %dma_wait3A_101 = arith.constant 0 : i32
          %dma_wait3A_102 = arith.constant 0 : i32
          %dma_wait3A_103 = tpu.memref_slice %arg11[%dma_wait3A_101, %dma_wait3A_102] : memref<10000x128xf32, #tpu.memory_space<vmem_shared>> -> memref<10000x128xf32, #tpu.memory_space<vmem_shared>>
          tpu.wait_indirect_dma semaphore(%run_scoped3A : memref<!tpu.dma_semaphore, #tpu.memory_space<semaphore_mem>>) src(%arg9 : memref<125x128xf32, #tpu.memory_space<vmem>>) dst(%dma_wait3A_103 : memref<10000x128xf32, #tpu.memory_space<vmem_shared>>)
          tpu.yield
        }) : () -> ()
      } else {
      }
      %jit3A_59 = arith.constant 2 : i32
      %eq3A_60 = arith.constant 0 : i32
      %eq3A_61 = arith.cmpi eq, %jit3A_59, %eq3A_60 : i32
      %jit3A_62 = arith.constant 1 : i32
      %select_n3A_63 = arith.select %eq3A_61, %jit3A_62, %jit3A_59 : i32
      %rem3A_64 = arith.remsi %scan3A_43, %select_n3A_63 : i32
      %ne3A_65 = arith.constant 0 : i32
      %ne3A_66 = arith.cmpi ne, %rem3A_64, %ne3A_65 : i32
      %lt3A_67 = arith.constant 0 : i32
      %lt3A_68 = arith.cmpi slt, %rem3A_64, %lt3A_67 : i32
      %lt3A_69 = arith.constant 0 : i32
      %lt3A_70 = arith.cmpi slt, %select_n3A_63, %lt3A_69 : i32
      %ne3A_71 = arith.xori %lt3A_68, %lt3A_70 : i1
      %and3A_72 = arith.andi %ne3A_71, %ne3A_66 : i1
      %add3A_73 = arith.addi %rem3A_64, %select_n3A_63 : i32
      %select_n3A_74 = arith.select %and3A_72, %add3A_73, %rem3A_64 : i32
      %eq3A_75 = arith.constant 1 : i32
      %eq3A_76 = arith.cmpi eq, %select_n3A_74, %eq3A_75 : i32
      %convert_element_type3A_77 = arith.extui %eq3A_76 : i1 to i32
      %cond3A_78 = arith.constant 0 : i32
      %cond3A_79 = arith.cmpi ne, %convert_element_type3A_77, %cond3A_78 : i32
      scf.if %cond3A_79 {
        %dma_wait3A = arith.constant 0 : i32
        %dma_wait3A_80 = tpu.memref_slice %arg7[%scan3A_43, %dma_wait3A] : memref<40x125xi32, #tpu.memory_space<vmem>> -> memref<1x125xi32, #tpu.memory_space<vmem>>
        %dma_wait3A_81 = tpu.memref_squeeze %dma_wait3A_80 : memref<1x125xi32, #tpu.memory_space<vmem>> -> memref<125xi32, #tpu.memory_space<vmem>>
        %dma_wait3A_82 = arith.constant 0 : i32
        %dma_wait3A_83 = arith.constant 0 : i32
        %dma_wait3A_84 = tpu.memref_slice %arg2[%dma_wait3A_82, %dma_wait3A_83] : memref<10000x128xf32, #tpu.memory_space<hbm>> -> memref<10000x128xf32, #tpu.memory_space<hbm>>
        tpu.wait_indirect_dma semaphore(%arg13 : memref<!tpu.dma_semaphore, #tpu.memory_space<semaphore_mem>>) src(%dma_wait3A_84 : memref<10000x128xf32, #tpu.memory_space<hbm>>) dst(%arg10 : memref<125x128xf32, #tpu.memory_space<vmem>>)
        %add3A_85 = arith.constant 1 : i32
        %add3A_86 = arith.addi %scan3A_43, %add3A_85 : i32
        %lt3A_87 = arith.constant 40 : i32
        %lt3A_88 = arith.cmpi slt, %add3A_86, %lt3A_87 : i32
        %convert_element_type3A_89 = arith.extui %lt3A_88 : i1 to i32
        %cond3A_90 = arith.constant 0 : i32
        %cond3A_91 = arith.cmpi ne, %convert_element_type3A_89, %cond3A_90 : i32
        scf.if %cond3A_91 {
          %add3A_92 = arith.constant 1 : i32
          %add3A_93 = arith.addi %scan3A_43, %add3A_92 : i32
          %dma_start3A_94 = arith.constant 0 : i32
          %dma_start3A_95 = tpu.memref_slice %arg7[%add3A_93, %dma_start3A_94] : memref<40x125xi32, #tpu.memory_space<vmem>> -> memref<1x125xi32, #tpu.memory_space<vmem>>
          %dma_start3A_96 = tpu.memref_squeeze %dma_start3A_95 : memref<1x125xi32, #tpu.memory_space<vmem>> -> memref<125xi32, #tpu.memory_space<vmem>>
          %dma_start3A_97 = arith.constant 0 : i32
          %dma_start3A_98 = arith.constant 0 : i32
          %dma_start3A_99 = tpu.memref_slice %arg2[%dma_start3A_97, %dma_start3A_98] : memref<10000x128xf32, #tpu.memory_space<hbm>> -> memref<10000x128xf32, #tpu.memory_space<hbm>>
          tpu.enqueue_indirect_dma source(%dma_start3A_99 : memref<10000x128xf32, #tpu.memory_space<hbm>>) target(%arg9 : memref<125x128xf32, #tpu.memory_space<vmem>>) offsets(%dma_start3A_96 : memref<125xi32, #tpu.memory_space<vmem>>) semaphore(%arg12 : memref<!tpu.dma_semaphore, #tpu.memory_space<semaphore_mem>>)
        } else {
        }
        "tpu.region"() ({
          %run_scoped3A = tpu.sem_alloc : memref<!tpu.dma_semaphore, #tpu.memory_space<semaphore_mem>>
          %dma_start3A_92 = arith.constant 0 : i32
          %dma_start3A_93 = tpu.memref_slice %arg8[%scan3A_43, %dma_start3A_92] : memref<40x125xi32, #tpu.memory_space<vmem>> -> memref<1x125xi32, #tpu.memory_space<vmem>>
          %dma_start3A_94 = tpu.memref_squeeze %dma_start3A_93 : memref<1x125xi32, #tpu.memory_space<vmem>> -> memref<125xi32, #tpu.memory_space<vmem>>
          %dma_start3A_95 = arith.constant 0 : i32
          %dma_start3A_96 = arith.constant 0 : i32
          %dma_start3A_97 = tpu.memref_slice %arg11[%dma_start3A_95, %dma_start3A_96] : memref<10000x128xf32, #tpu.memory_space<vmem_shared>> -> memref<10000x128xf32, #tpu.memory_space<vmem_shared>>
          tpu.enqueue_indirect_dma source(%arg10 : memref<125x128xf32, #tpu.memory_space<vmem>>) target(%dma_start3A_97 : memref<10000x128xf32, #tpu.memory_space<vmem_shared>>) offsets(%dma_start3A_94 : memref<125xi32, #tpu.memory_space<vmem>>) semaphore(%run_scoped3A : memref<!tpu.dma_semaphore, #tpu.memory_space<semaphore_mem>>) {add = true}
          %dma_wait3A_98 = arith.constant 0 : i32
          %dma_wait3A_99 = tpu.memref_slice %arg8[%scan3A_43, %dma_wait3A_98] : memref<40x125xi32, #tpu.memory_space<vmem>> -> memref<1x125xi32, #tpu.memory_space<vmem>>
          %dma_wait3A_100 = tpu.memref_squeeze %dma_wait3A_99 : memref<1x125xi32, #tpu.memory_space<vmem>> -> memref<125xi32, #tpu.memory_space<vmem>>
          %dma_wait3A_101 = arith.constant 0 : i32
          %dma_wait3A_102 = arith.constant 0 : i32
          %dma_wait3A_103 = tpu.memref_slice %arg11[%dma_wait3A_101, %dma_wait3A_102] : memref<10000x128xf32, #tpu.memory_space<vmem_shared>> -> memref<10000x128xf32, #tpu.memory_space<vmem_shared>>
          tpu.wait_indirect_dma semaphore(%run_scoped3A : memref<!tpu.dma_semaphore, #tpu.memory_space<semaphore_mem>>) src(%arg10 : memref<125x128xf32, #tpu.memory_space<vmem>>) dst(%dma_wait3A_103 : memref<10000x128xf32, #tpu.memory_space<vmem_shared>>)
          tpu.yield
        }) : () -> ()
      } else {
      }
    }
    %scan3A_36 = arith.constant 40 : i32
    %barrier3A_37 = arith.constant 0 : index
    tpu.barrier barrier_id(%barrier3A_37)
    "tpu.region"() ({
      %run_scoped3A = tpu.sem_alloc : memref<!tpu.dma_semaphore, #tpu.memory_space<semaphore_mem>>
      %dma_start3A_43 = arith.constant 0 : i32
      %dma_start3A_44 = tpu.memref_slice %arg6[%arg0, %mul3A_2, %dma_start3A_43] : memref<2x10000x128xf32, #tpu.memory_space<hbm>> -> memref<1x624x128xf32, #tpu.memory_space<hbm>>
      %dma_start3A_45 = tpu.memref_squeeze %dma_start3A_44 : memref<1x624x128xf32, #tpu.memory_space<hbm>> -> memref<624x128xf32, #tpu.memory_space<hbm>>
      %dma_start3A_46 = arith.constant 0 : i32
      %dma_start3A_47 = tpu.memref_slice %arg11[%mul3A_2, %dma_start3A_46] : memref<10000x128xf32, #tpu.memory_space<vmem_shared>> -> memref<624x128xf32, #tpu.memory_space<vmem_shared>>
      tpu.enqueue_dma source(%dma_start3A_47 : memref<624x128xf32, #tpu.memory_space<vmem_shared>>) target(%dma_start3A_45 : memref<624x128xf32, #tpu.memory_space<hbm>>) target_semaphore(%run_scoped3A : memref<!tpu.dma_semaphore, #tpu.memory_space<semaphore_mem>>)
      %dma_wait3A = arith.constant 0 : i32
      %dma_wait3A_48 = tpu.memref_slice %arg6[%arg0, %mul3A_2, %dma_wait3A] : memref<2x10000x128xf32, #tpu.memory_space<hbm>> -> memref<1x624x128xf32, #tpu.memory_space<hbm>>
      %dma_wait3A_49 = tpu.memref_squeeze %dma_wait3A_48 : memref<1x624x128xf32, #tpu.memory_space<hbm>> -> memref<624x128xf32, #tpu.memory_space<hbm>>
      %dma_wait3A_50 = arith.constant 0 : i32
      %dma_wait3A_51 = tpu.memref_slice %arg11[%mul3A_2, %dma_wait3A_50] : memref<10000x128xf32, #tpu.memory_space<vmem_shared>> -> memref<624x128xf32, #tpu.memory_space<vmem_shared>>
      tpu.wait_dma2 semaphore(%run_scoped3A : memref<!tpu.dma_semaphore, #tpu.memory_space<semaphore_mem>>) src(%dma_wait3A_51 : memref<624x128xf32, #tpu.memory_space<vmem_shared>>) dst(%dma_wait3A_49 : memref<624x128xf32, #tpu.memory_space<hbm>>)
      tpu.yield
    }) : () -> ()
    %eq3A_38 = arith.constant 15 : i32
    %eq3A_39 = arith.cmpi eq, %arg1, %eq3A_38 : i32
    %convert_element_type3A_40 = arith.extui %eq3A_39 : i1 to i32
    %cond3A_41 = arith.constant 0 : i32
    %cond3A_42 = arith.cmpi ne, %convert_element_type3A_40, %cond3A_41 : i32
    scf.if %cond3A_42 {
      "tpu.region"() ({
        %run_scoped3A = tpu.sem_alloc : memref<!tpu.dma_semaphore, #tpu.memory_space<semaphore_mem>>
        %dma_start3A_43 = arith.constant 9984 : i32
        %dma_start3A_44 = arith.constant 0 : i32
        %dma_start3A_45 = tpu.memref_slice %arg6[%arg0, %dma_start3A_43, %dma_start3A_44] : memref<2x10000x128xf32, #tpu.memory_space<hbm>> -> memref<1x16x128xf32, #tpu.memory_space<hbm>>
        %dma_start3A_46 = tpu.memref_squeeze %dma_start3A_45 : memref<1x16x128xf32, #tpu.memory_space<hbm>> -> memref<16x128xf32, #tpu.memory_space<hbm>>
        %dma_start3A_47 = arith.constant 9984 : i32
        %dma_start3A_48 = arith.constant 0 : i32
        %dma_start3A_49 = tpu.memref_slice %arg11[%dma_start3A_47, %dma_start3A_48] : memref<10000x128xf32, #tpu.memory_space<vmem_shared>> -> memref<16x128xf32, #tpu.memory_space<vmem_shared>>
        tpu.enqueue_dma source(%dma_start3A_49 : memref<16x128xf32, #tpu.memory_space<vmem_shared>>) target(%dma_start3A_46 : memref<16x128xf32, #tpu.memory_space<hbm>>) target_semaphore(%run_scoped3A : memref<!tpu.dma_semaphore, #tpu.memory_space<semaphore_mem>>)
        %dma_wait3A = arith.constant 9984 : i32
        %dma_wait3A_50 = arith.constant 0 : i32
        %dma_wait3A_51 = tpu.memref_slice %arg6[%arg0, %dma_wait3A, %dma_wait3A_50] : memref<2x10000x128xf32, #tpu.memory_space<hbm>> -> memref<1x16x128xf32, #tpu.memory_space<hbm>>
        %dma_wait3A_52 = tpu.memref_squeeze %dma_wait3A_51 : memref<1x16x128xf32, #tpu.memory_space<hbm>> -> memref<16x128xf32, #tpu.memory_space<hbm>>
        %dma_wait3A_53 = arith.constant 9984 : i32
        %dma_wait3A_54 = arith.constant 0 : i32
        %dma_wait3A_55 = tpu.memref_slice %arg11[%dma_wait3A_53, %dma_wait3A_54] : memref<10000x128xf32, #tpu.memory_space<vmem_shared>> -> memref<16x128xf32, #tpu.memory_space<vmem_shared>>
        tpu.wait_dma2 semaphore(%run_scoped3A : memref<!tpu.dma_semaphore, #tpu.memory_space<semaphore_mem>>) src(%dma_wait3A_55 : memref<16x128xf32, #tpu.memory_space<vmem_shared>>) dst(%dma_wait3A_52 : memref<16x128xf32, #tpu.memory_space<hbm>>)
        tpu.yield
      }) : () -> ()
    } else {
    }
    return
  }
}

#map = affine_map<(d0, d1) -> (0, 0)>
#map1 = affine_map<(d0, d1) -> (0, 0, 0)>
module attributes {stable_mosaic.version = 14 : i64} {
  func.func @_spmm_body(%arg0: i32, %arg1: i32, %arg2: memref<10000x128xf32, #tpu.memory_space<hbm>>, %arg3: memref<2560x125xi32, #tpu.memory_space<hbm>>, %arg4: memref<2560x125xi32, #tpu.memory_space<hbm>>, %arg5: memref<10000x128xf32, #tpu.memory_space<hbm>>, %arg6: memref<2x10000x128xf32, #tpu.memory_space<hbm>>, %arg7: memref<40x125xi32, #tpu.memory_space<vmem>>, %arg8: memref<40x125xi32, #tpu.memory_space<vmem>>, %arg9: memref<125x128xf32, #tpu.memory_space<vmem>>, %arg10: memref<125x128xf32, #tpu.memory_space<vmem>>, %arg11: memref<10000x128xf32, #tpu.memory_space<vmem_shared>>, %arg12: memref<!tpu.dma_semaphore, #tpu.memory_space<semaphore_mem>>, %arg13: memref<!tpu.dma_semaphore, #tpu.memory_space<semaphore_mem>>) attributes {dimension_semantics = [#tpu.dimension_semantics<core_parallel>, #tpu.dimension_semantics<subcore_parallel>], iteration_bounds = array<i64: 2, 16>, scalar_prefetch = 0 : i64, scratch_operands = 7 : i64, tpu.core_type = #tpu.core_type<sc_vector_subcore>, window_params = [{transform_indices = #map}, {transform_indices = #map}, {transform_indices = #map}, {transform_indices = #map}, {transform_indices = #map1}]} {
    %mul3A = arith.constant 2 : i32
    %mul3A_0 = arith.muli %arg1, %mul3A : i32
    %add3A = arith.addi %mul3A_0, %arg0 : i32
    %mul3A_1 = arith.constant 624 : i32
    %mul3A_2 = arith.muli %arg1, %mul3A_1 : i32
    "tpu.region"() ({
      %run_scoped3A = tpu.sem_alloc : memref<!tpu.dma_semaphore, #tpu.memory_space<semaphore_mem>>
      %dma_start3A_43 = arith.constant 0 : i32
      %dma_start3A_44 = tpu.memref_slice %arg11[%mul3A_2, %dma_start3A_43] : memref<10000x128xf32, #tpu.memory_space<vmem_shared>> -> memref<624x128xf32, #tpu.memory_space<vmem_shared>>
      %dma_start3A_45 = arith.constant 0 : i32
      %dma_start3A_46 = tpu.memref_slice %arg5[%mul3A_2, %dma_start3A_45] : memref<10000x128xf32, #tpu.memory_space<hbm>> -> memref<624x128xf32, #tpu.memory_space<hbm>>
      tpu.enqueue_dma source(%dma_start3A_46 : memref<624x128xf32, #tpu.memory_space<hbm>>) target(%dma_start3A_44 : memref<624x128xf32, #tpu.memory_space<vmem_shared>>) target_semaphore(%run_scoped3A : memref<!tpu.dma_semaphore, #tpu.memory_space<semaphore_mem>>)
      %dma_wait3A = arith.constant 0 : i32
      %dma_wait3A_47 = tpu.memref_slice %arg11[%mul3A_2, %dma_wait3A] : memref<10000x128xf32, #tpu.memory_space<vmem_shared>> -> memref<624x128xf32, #tpu.memory_space<vmem_shared>>
      %dma_wait3A_48 = arith.constant 0 : i32
      %dma_wait3A_49 = tpu.memref_slice %arg5[%mul3A_2, %dma_wait3A_48] : memref<10000x128xf32, #tpu.memory_space<hbm>> -> memref<624x128xf32, #tpu.memory_space<hbm>>
      tpu.wait_dma2 semaphore(%run_scoped3A : memref<!tpu.dma_semaphore, #tpu.memory_space<semaphore_mem>>) src(%dma_wait3A_49 : memref<624x128xf32, #tpu.memory_space<hbm>>) dst(%dma_wait3A_47 : memref<624x128xf32, #tpu.memory_space<vmem_shared>>)
      tpu.yield
    }) : () -> ()
    %eq3A = arith.constant 15 : i32
    %eq3A_3 = arith.cmpi eq, %arg1, %eq3A : i32
    %convert_element_type3A = arith.extui %eq3A_3 : i1 to i32
    %cond3A = arith.constant 0 : i32
    %cond3A_4 = arith.cmpi ne, %convert_element_type3A, %cond3A : i32
    scf.if %cond3A_4 {
      "tpu.region"() ({
        %run_scoped3A = tpu.sem_alloc : memref<!tpu.dma_semaphore, #tpu.memory_space<semaphore_mem>>
        %dma_start3A_43 = arith.constant 9984 : i32
        %dma_start3A_44 = arith.constant 0 : i32
        %dma_start3A_45 = tpu.memref_slice %arg11[%dma_start3A_43, %dma_start3A_44] : memref<10000x128xf32, #tpu.memory_space<vmem_shared>> -> memref<16x128xf32, #tpu.memory_space<vmem_shared>>
        %dma_start3A_46 = arith.constant 9984 : i32
        %dma_start3A_47 = arith.constant 0 : i32
        %dma_start3A_48 = tpu.memref_slice %arg5[%dma_start3A_46, %dma_start3A_47] : memref<10000x128xf32, #tpu.memory_space<hbm>> -> memref<16x128xf32, #tpu.memory_space<hbm>>
        tpu.enqueue_dma source(%dma_start3A_48 : memref<16x128xf32, #tpu.memory_space<hbm>>) target(%dma_start3A_45 : memref<16x128xf32, #tpu.memory_space<vmem_shared>>) target_semaphore(%run_scoped3A : memref<!tpu.dma_semaphore, #tpu.memory_space<semaphore_mem>>)
        %dma_wait3A = arith.constant 9984 : i32
        %dma_wait3A_49 = arith.constant 0 : i32
        %dma_wait3A_50 = tpu.memref_slice %arg11[%dma_wait3A, %dma_wait3A_49] : memref<10000x128xf32, #tpu.memory_space<vmem_shared>> -> memref<16x128xf32, #tpu.memory_space<vmem_shared>>
        %dma_wait3A_51 = arith.constant 9984 : i32
        %dma_wait3A_52 = arith.constant 0 : i32
        %dma_wait3A_53 = tpu.memref_slice %arg5[%dma_wait3A_51, %dma_wait3A_52] : memref<10000x128xf32, #tpu.memory_space<hbm>> -> memref<16x128xf32, #tpu.memory_space<hbm>>
        tpu.wait_dma2 semaphore(%run_scoped3A : memref<!tpu.dma_semaphore, #tpu.memory_space<semaphore_mem>>) src(%dma_wait3A_53 : memref<16x128xf32, #tpu.memory_space<hbm>>) dst(%dma_wait3A_50 : memref<16x128xf32, #tpu.memory_space<vmem_shared>>)
        tpu.yield
      }) : () -> ()
    } else {
    }
    %barrier3A = arith.constant 0 : index
    tpu.barrier barrier_id(%barrier3A)
    %mul3A_5 = arith.constant 80 : i32
    %mul3A_6 = arith.muli %add3A, %mul3A_5 : i32
    %add3A_7 = arith.constant 0 : i32
    %add3A_8 = arith.addi %mul3A_6, %add3A_7 : i32
    "tpu.region"() ({
      %run_scoped3A = tpu.sem_alloc : memref<!tpu.dma_semaphore, #tpu.memory_space<semaphore_mem>>
      %dma_start3A_43 = arith.constant 0 : i32
      %dma_start3A_44 = tpu.memref_slice %arg3[%add3A_8, %dma_start3A_43] : memref<2560x125xi32, #tpu.memory_space<hbm>> -> memref<40x125xi32, #tpu.memory_space<hbm>>
      %dma_start3A_45 = arith.constant 0 : i32
      %dma_start3A_46 = tpu.memref_slice %arg3[%add3A_8, %dma_start3A_45] : memref<2560x125xi32, #tpu.memory_space<hbm>> -> memref<40x125xi32, #tpu.memory_space<hbm>>
      tpu.enqueue_dma source(%dma_start3A_46 : memref<40x125xi32, #tpu.memory_space<hbm>>) target(%arg7 : memref<40x125xi32, #tpu.memory_space<vmem>>) target_semaphore(%run_scoped3A : memref<!tpu.dma_semaphore, #tpu.memory_space<semaphore_mem>>)
      %dma_wait3A = arith.constant 0 : i32
      %dma_wait3A_47 = tpu.memref_slice %arg3[%add3A_8, %dma_wait3A] : memref<2560x125xi32, #tpu.memory_space<hbm>> -> memref<40x125xi32, #tpu.memory_space<hbm>>
      %dma_wait3A_48 = arith.constant 0 : i32
      %dma_wait3A_49 = tpu.memref_slice %arg3[%add3A_8, %dma_wait3A_48] : memref<2560x125xi32, #tpu.memory_space<hbm>> -> memref<40x125xi32, #tpu.memory_space<hbm>>
      tpu.wait_dma2 semaphore(%run_scoped3A : memref<!tpu.dma_semaphore, #tpu.memory_space<semaphore_mem>>) src(%dma_wait3A_49 : memref<40x125xi32, #tpu.memory_space<hbm>>) dst(%arg7 : memref<40x125xi32, #tpu.memory_space<vmem>>)
      tpu.yield
    }) : () -> ()
    "tpu.region"() ({
      %run_scoped3A = tpu.sem_alloc : memref<!tpu.dma_semaphore, #tpu.memory_space<semaphore_mem>>
      %dma_start3A_43 = arith.constant 0 : i32
      %dma_start3A_44 = tpu.memref_slice %arg4[%add3A_8, %dma_start3A_43] : memref<2560x125xi32, #tpu.memory_space<hbm>> -> memref<40x125xi32, #tpu.memory_space<hbm>>
      %dma_start3A_45 = arith.constant 0 : i32
      %dma_start3A_46 = tpu.memref_slice %arg4[%add3A_8, %dma_start3A_45] : memref<2560x125xi32, #tpu.memory_space<hbm>> -> memref<40x125xi32, #tpu.memory_space<hbm>>
      tpu.enqueue_dma source(%dma_start3A_46 : memref<40x125xi32, #tpu.memory_space<hbm>>) target(%arg8 : memref<40x125xi32, #tpu.memory_space<vmem>>) target_semaphore(%run_scoped3A : memref<!tpu.dma_semaphore, #tpu.memory_space<semaphore_mem>>)
      %dma_wait3A = arith.constant 0 : i32
      %dma_wait3A_47 = tpu.memref_slice %arg4[%add3A_8, %dma_wait3A] : memref<2560x125xi32, #tpu.memory_space<hbm>> -> memref<40x125xi32, #tpu.memory_space<hbm>>
      %dma_wait3A_48 = arith.constant 0 : i32
      %dma_wait3A_49 = tpu.memref_slice %arg4[%add3A_8, %dma_wait3A_48] : memref<2560x125xi32, #tpu.memory_space<hbm>> -> memref<40x125xi32, #tpu.memory_space<hbm>>
      tpu.wait_dma2 semaphore(%run_scoped3A : memref<!tpu.dma_semaphore, #tpu.memory_space<semaphore_mem>>) src(%dma_wait3A_49 : memref<40x125xi32, #tpu.memory_space<hbm>>) dst(%arg8 : memref<40x125xi32, #tpu.memory_space<vmem>>)
      tpu.yield
    }) : () -> ()
    %dma_start3A = arith.constant 0 : i32
    %dma_start3A_9 = arith.constant 0 : i32
    %dma_start3A_10 = tpu.memref_slice %arg7[%dma_start3A, %dma_start3A_9] : memref<40x125xi32, #tpu.memory_space<vmem>> -> memref<1x125xi32, #tpu.memory_space<vmem>>
    %dma_start3A_11 = tpu.memref_squeeze %dma_start3A_10 : memref<1x125xi32, #tpu.memory_space<vmem>> -> memref<125xi32, #tpu.memory_space<vmem>>
    %dma_start3A_12 = arith.constant 0 : i32
    %dma_start3A_13 = arith.constant 0 : i32
    %dma_start3A_14 = tpu.memref_slice %arg2[%dma_start3A_12, %dma_start3A_13] : memref<10000x128xf32, #tpu.memory_space<hbm>> -> memref<10000x128xf32, #tpu.memory_space<hbm>>
    tpu.enqueue_indirect_dma source(%dma_start3A_14 : memref<10000x128xf32, #tpu.memory_space<hbm>>) target(%arg9 : memref<125x128xf32, #tpu.memory_space<vmem>>) offsets(%dma_start3A_11 : memref<125xi32, #tpu.memory_space<vmem>>) semaphore(%arg12 : memref<!tpu.dma_semaphore, #tpu.memory_space<semaphore_mem>>)
    %scan3A = arith.constant 0 : i32
    %scan3A_15 = arith.constant 0 : i32
    %scan3A_16 = arith.constant 40 : i32
    %scan3A_17 = arith.addi %scan3A_15, %scan3A_16 : i32
    %scan3A_18 = arith.constant 1 : i32
    scf.for %scan3A_43 = %scan3A_15 to %scan3A_17 step %scan3A_18  : i32 {
      %jit3A = arith.constant 2 : i32
      %eq3A_44 = arith.constant 0 : i32
      %eq3A_45 = arith.cmpi eq, %jit3A, %eq3A_44 : i32
      %jit3A_46 = arith.constant 1 : i32
      %select_n3A = arith.select %eq3A_45, %jit3A_46, %jit3A : i32
      %rem3A = arith.remsi %scan3A_43, %select_n3A : i32
      %ne3A = arith.constant 0 : i32
      %ne3A_47 = arith.cmpi ne, %rem3A, %ne3A : i32
      %lt3A = arith.constant 0 : i32
      %lt3A_48 = arith.cmpi slt, %rem3A, %lt3A : i32
      %lt3A_49 = arith.constant 0 : i32
      %lt3A_50 = arith.cmpi slt, %select_n3A, %lt3A_49 : i32
      %ne3A_51 = arith.xori %lt3A_48, %lt3A_50 : i1
      %and3A = arith.andi %ne3A_51, %ne3A_47 : i1
      %add3A_52 = arith.addi %rem3A, %select_n3A : i32
      %select_n3A_53 = arith.select %and3A, %add3A_52, %rem3A : i32
      %eq3A_54 = arith.constant 0 : i32
      %eq3A_55 = arith.cmpi eq, %select_n3A_53, %eq3A_54 : i32
      %convert_element_type3A_56 = arith.extui %eq3A_55 : i1 to i32
      %cond3A_57 = arith.constant 0 : i32
      %cond3A_58 = arith.cmpi ne, %convert_element_type3A_56, %cond3A_57 : i32
      scf.if %cond3A_58 {
        %dma_wait3A = arith.constant 0 : i32
        %dma_wait3A_80 = tpu.memref_slice %arg7[%scan3A_43, %dma_wait3A] : memref<40x125xi32, #tpu.memory_space<vmem>> -> memref<1x125xi32, #tpu.memory_space<vmem>>
        %dma_wait3A_81 = tpu.memref_squeeze %dma_wait3A_80 : memref<1x125xi32, #tpu.memory_space<vmem>> -> memref<125xi32, #tpu.memory_space<vmem>>
        %dma_wait3A_82 = arith.constant 0 : i32
        %dma_wait3A_83 = arith.constant 0 : i32
        %dma_wait3A_84 = tpu.memref_slice %arg2[%dma_wait3A_82, %dma_wait3A_83] : memref<10000x128xf32, #tpu.memory_space<hbm>> -> memref<10000x128xf32, #tpu.memory_space<hbm>>
        tpu.wait_indirect_dma semaphore(%arg12 : memref<!tpu.dma_semaphore, #tpu.memory_space<semaphore_mem>>) src(%dma_wait3A_84 : memref<10000x128xf32, #tpu.memory_space<hbm>>) dst(%arg9 : memref<125x128xf32, #tpu.memory_space<vmem>>)
        %add3A_85 = arith.constant 1 : i32
        %add3A_86 = arith.addi %scan3A_43, %add3A_85 : i32
        %lt3A_87 = arith.constant 40 : i32
        %lt3A_88 = arith.cmpi slt, %add3A_86, %lt3A_87 : i32
        %convert_element_type3A_89 = arith.extui %lt3A_88 : i1 to i32
        %cond3A_90 = arith.constant 0 : i32
        %cond3A_91 = arith.cmpi ne, %convert_element_type3A_89, %cond3A_90 : i32
        scf.if %cond3A_91 {
          %add3A_92 = arith.constant 1 : i32
          %add3A_93 = arith.addi %scan3A_43, %add3A_92 : i32
          %dma_start3A_94 = arith.constant 0 : i32
          %dma_start3A_95 = tpu.memref_slice %arg7[%add3A_93, %dma_start3A_94] : memref<40x125xi32, #tpu.memory_space<vmem>> -> memref<1x125xi32, #tpu.memory_space<vmem>>
          %dma_start3A_96 = tpu.memref_squeeze %dma_start3A_95 : memref<1x125xi32, #tpu.memory_space<vmem>> -> memref<125xi32, #tpu.memory_space<vmem>>
          %dma_start3A_97 = arith.constant 0 : i32
          %dma_start3A_98 = arith.constant 0 : i32
          %dma_start3A_99 = tpu.memref_slice %arg2[%dma_start3A_97, %dma_start3A_98] : memref<10000x128xf32, #tpu.memory_space<hbm>> -> memref<10000x128xf32, #tpu.memory_space<hbm>>
          tpu.enqueue_indirect_dma source(%dma_start3A_99 : memref<10000x128xf32, #tpu.memory_space<hbm>>) target(%arg10 : memref<125x128xf32, #tpu.memory_space<vmem>>) offsets(%dma_start3A_96 : memref<125xi32, #tpu.memory_space<vmem>>) semaphore(%arg13 : memref<!tpu.dma_semaphore, #tpu.memory_space<semaphore_mem>>)
        } else {
        }
        "tpu.region"() ({
          %run_scoped3A = tpu.sem_alloc : memref<!tpu.dma_semaphore, #tpu.memory_space<semaphore_mem>>
          %dma_start3A_92 = arith.constant 0 : i32
          %dma_start3A_93 = tpu.memref_slice %arg8[%scan3A_43, %dma_start3A_92] : memref<40x125xi32, #tpu.memory_space<vmem>> -> memref<1x125xi32, #tpu.memory_space<vmem>>
          %dma_start3A_94 = tpu.memref_squeeze %dma_start3A_93 : memref<1x125xi32, #tpu.memory_space<vmem>> -> memref<125xi32, #tpu.memory_space<vmem>>
          %dma_start3A_95 = arith.constant 0 : i32
          %dma_start3A_96 = arith.constant 0 : i32
          %dma_start3A_97 = tpu.memref_slice %arg11[%dma_start3A_95, %dma_start3A_96] : memref<10000x128xf32, #tpu.memory_space<vmem_shared>> -> memref<10000x128xf32, #tpu.memory_space<vmem_shared>>
          tpu.enqueue_indirect_dma source(%arg9 : memref<125x128xf32, #tpu.memory_space<vmem>>) target(%dma_start3A_97 : memref<10000x128xf32, #tpu.memory_space<vmem_shared>>) offsets(%dma_start3A_94 : memref<125xi32, #tpu.memory_space<vmem>>) semaphore(%run_scoped3A : memref<!tpu.dma_semaphore, #tpu.memory_space<semaphore_mem>>) {add = true}
          %dma_wait3A_98 = arith.constant 0 : i32
          %dma_wait3A_99 = tpu.memref_slice %arg8[%scan3A_43, %dma_wait3A_98] : memref<40x125xi32, #tpu.memory_space<vmem>> -> memref<1x125xi32, #tpu.memory_space<vmem>>
          %dma_wait3A_100 = tpu.memref_squeeze %dma_wait3A_99 : memref<1x125xi32, #tpu.memory_space<vmem>> -> memref<125xi32, #tpu.memory_space<vmem>>
          %dma_wait3A_101 = arith.constant 0 : i32
          %dma_wait3A_102 = arith.constant 0 : i32
          %dma_wait3A_103 = tpu.memref_slice %arg11[%dma_wait3A_101, %dma_wait3A_102] : memref<10000x128xf32, #tpu.memory_space<vmem_shared>> -> memref<10000x128xf32, #tpu.memory_space<vmem_shared>>
          tpu.wait_indirect_dma semaphore(%run_scoped3A : memref<!tpu.dma_semaphore, #tpu.memory_space<semaphore_mem>>) src(%arg9 : memref<125x128xf32, #tpu.memory_space<vmem>>) dst(%dma_wait3A_103 : memref<10000x128xf32, #tpu.memory_space<vmem_shared>>)
          tpu.yield
        }) : () -> ()
      } else {
      }
      %jit3A_59 = arith.constant 2 : i32
      %eq3A_60 = arith.constant 0 : i32
      %eq3A_61 = arith.cmpi eq, %jit3A_59, %eq3A_60 : i32
      %jit3A_62 = arith.constant 1 : i32
      %select_n3A_63 = arith.select %eq3A_61, %jit3A_62, %jit3A_59 : i32
      %rem3A_64 = arith.remsi %scan3A_43, %select_n3A_63 : i32
      %ne3A_65 = arith.constant 0 : i32
      %ne3A_66 = arith.cmpi ne, %rem3A_64, %ne3A_65 : i32
      %lt3A_67 = arith.constant 0 : i32
      %lt3A_68 = arith.cmpi slt, %rem3A_64, %lt3A_67 : i32
      %lt3A_69 = arith.constant 0 : i32
      %lt3A_70 = arith.cmpi slt, %select_n3A_63, %lt3A_69 : i32
      %ne3A_71 = arith.xori %lt3A_68, %lt3A_70 : i1
      %and3A_72 = arith.andi %ne3A_71, %ne3A_66 : i1
      %add3A_73 = arith.addi %rem3A_64, %select_n3A_63 : i32
      %select_n3A_74 = arith.select %and3A_72, %add3A_73, %rem3A_64 : i32
      %eq3A_75 = arith.constant 1 : i32
      %eq3A_76 = arith.cmpi eq, %select_n3A_74, %eq3A_75 : i32
      %convert_element_type3A_77 = arith.extui %eq3A_76 : i1 to i32
      %cond3A_78 = arith.constant 0 : i32
      %cond3A_79 = arith.cmpi ne, %convert_element_type3A_77, %cond3A_78 : i32
      scf.if %cond3A_79 {
        %dma_wait3A = arith.constant 0 : i32
        %dma_wait3A_80 = tpu.memref_slice %arg7[%scan3A_43, %dma_wait3A] : memref<40x125xi32, #tpu.memory_space<vmem>> -> memref<1x125xi32, #tpu.memory_space<vmem>>
        %dma_wait3A_81 = tpu.memref_squeeze %dma_wait3A_80 : memref<1x125xi32, #tpu.memory_space<vmem>> -> memref<125xi32, #tpu.memory_space<vmem>>
        %dma_wait3A_82 = arith.constant 0 : i32
        %dma_wait3A_83 = arith.constant 0 : i32
        %dma_wait3A_84 = tpu.memref_slice %arg2[%dma_wait3A_82, %dma_wait3A_83] : memref<10000x128xf32, #tpu.memory_space<hbm>> -> memref<10000x128xf32, #tpu.memory_space<hbm>>
        tpu.wait_indirect_dma semaphore(%arg13 : memref<!tpu.dma_semaphore, #tpu.memory_space<semaphore_mem>>) src(%dma_wait3A_84 : memref<10000x128xf32, #tpu.memory_space<hbm>>) dst(%arg10 : memref<125x128xf32, #tpu.memory_space<vmem>>)
        %add3A_85 = arith.constant 1 : i32
        %add3A_86 = arith.addi %scan3A_43, %add3A_85 : i32
        %lt3A_87 = arith.constant 40 : i32
        %lt3A_88 = arith.cmpi slt, %add3A_86, %lt3A_87 : i32
        %convert_element_type3A_89 = arith.extui %lt3A_88 : i1 to i32
        %cond3A_90 = arith.constant 0 : i32
        %cond3A_91 = arith.cmpi ne, %convert_element_type3A_89, %cond3A_90 : i32
        scf.if %cond3A_91 {
          %add3A_92 = arith.constant 1 : i32
          %add3A_93 = arith.addi %scan3A_43, %add3A_92 : i32
          %dma_start3A_94 = arith.constant 0 : i32
          %dma_start3A_95 = tpu.memref_slice %arg7[%add3A_93, %dma_start3A_94] : memref<40x125xi32, #tpu.memory_space<vmem>> -> memref<1x125xi32, #tpu.memory_space<vmem>>
          %dma_start3A_96 = tpu.memref_squeeze %dma_start3A_95 : memref<1x125xi32, #tpu.memory_space<vmem>> -> memref<125xi32, #tpu.memory_space<vmem>>
          %dma_start3A_97 = arith.constant 0 : i32
          %dma_start3A_98 = arith.constant 0 : i32
          %dma_start3A_99 = tpu.memref_slice %arg2[%dma_start3A_97, %dma_start3A_98] : memref<10000x128xf32, #tpu.memory_space<hbm>> -> memref<10000x128xf32, #tpu.memory_space<hbm>>
          tpu.enqueue_indirect_dma source(%dma_start3A_99 : memref<10000x128xf32, #tpu.memory_space<hbm>>) target(%arg9 : memref<125x128xf32, #tpu.memory_space<vmem>>) offsets(%dma_start3A_96 : memref<125xi32, #tpu.memory_space<vmem>>) semaphore(%arg12 : memref<!tpu.dma_semaphore, #tpu.memory_space<semaphore_mem>>)
        } else {
        }
        "tpu.region"() ({
          %run_scoped3A = tpu.sem_alloc : memref<!tpu.dma_semaphore, #tpu.memory_space<semaphore_mem>>
          %dma_start3A_92 = arith.constant 0 : i32
          %dma_start3A_93 = tpu.memref_slice %arg8[%scan3A_43, %dma_start3A_92] : memref<40x125xi32, #tpu.memory_space<vmem>> -> memref<1x125xi32, #tpu.memory_space<vmem>>
          %dma_start3A_94 = tpu.memref_squeeze %dma_start3A_93 : memref<1x125xi32, #tpu.memory_space<vmem>> -> memref<125xi32, #tpu.memory_space<vmem>>
          %dma_start3A_95 = arith.constant 0 : i32
          %dma_start3A_96 = arith.constant 0 : i32
          %dma_start3A_97 = tpu.memref_slice %arg11[%dma_start3A_95, %dma_start3A_96] : memref<10000x128xf32, #tpu.memory_space<vmem_shared>> -> memref<10000x128xf32, #tpu.memory_space<vmem_shared>>
          tpu.enqueue_indirect_dma source(%arg10 : memref<125x128xf32, #tpu.memory_space<vmem>>) target(%dma_start3A_97 : memref<10000x128xf32, #tpu.memory_space<vmem_shared>>) offsets(%dma_start3A_94 : memref<125xi32, #tpu.memory_space<vmem>>) semaphore(%run_scoped3A : memref<!tpu.dma_semaphore, #tpu.memory_space<semaphore_mem>>) {add = true}
          %dma_wait3A_98 = arith.constant 0 : i32
          %dma_wait3A_99 = tpu.memref_slice %arg8[%scan3A_43, %dma_wait3A_98] : memref<40x125xi32, #tpu.memory_space<vmem>> -> memref<1x125xi32, #tpu.memory_space<vmem>>
          %dma_wait3A_100 = tpu.memref_squeeze %dma_wait3A_99 : memref<1x125xi32, #tpu.memory_space<vmem>> -> memref<125xi32, #tpu.memory_space<vmem>>
          %dma_wait3A_101 = arith.constant 0 : i32
          %dma_wait3A_102 = arith.constant 0 : i32
          %dma_wait3A_103 = tpu.memref_slice %arg11[%dma_wait3A_101, %dma_wait3A_102] : memref<10000x128xf32, #tpu.memory_space<vmem_shared>> -> memref<10000x128xf32, #tpu.memory_space<vmem_shared>>
          tpu.wait_indirect_dma semaphore(%run_scoped3A : memref<!tpu.dma_semaphore, #tpu.memory_space<semaphore_mem>>) src(%arg10 : memref<125x128xf32, #tpu.memory_space<vmem>>) dst(%dma_wait3A_103 : memref<10000x128xf32, #tpu.memory_space<vmem_shared>>)
          tpu.yield
        }) : () -> ()
      } else {
      }
    }
    %scan3A_19 = arith.constant 40 : i32
    %mul3A_20 = arith.constant 80 : i32
    %mul3A_21 = arith.muli %add3A, %mul3A_20 : i32
    %add3A_22 = arith.constant 40 : i32
    %add3A_23 = arith.addi %mul3A_21, %add3A_22 : i32
    "tpu.region"() ({
      %run_scoped3A = tpu.sem_alloc : memref<!tpu.dma_semaphore, #tpu.memory_space<semaphore_mem>>
      %dma_start3A_43 = arith.constant 0 : i32
      %dma_start3A_44 = tpu.memref_slice %arg3[%add3A_23, %dma_start3A_43] : memref<2560x125xi32, #tpu.memory_space<hbm>> -> memref<40x125xi32, #tpu.memory_space<hbm>>
      %dma_start3A_45 = arith.constant 0 : i32
      %dma_start3A_46 = tpu.memref_slice %arg3[%add3A_23, %dma_start3A_45] : memref<2560x125xi32, #tpu.memory_space<hbm>> -> memref<40x125xi32, #tpu.memory_space<hbm>>
      tpu.enqueue_dma source(%dma_start3A_46 : memref<40x125xi32, #tpu.memory_space<hbm>>) target(%arg7 : memref<40x125xi32, #tpu.memory_space<vmem>>) target_semaphore(%run_scoped3A : memref<!tpu.dma_semaphore, #tpu.memory_space<semaphore_mem>>)
      %dma_wait3A = arith.constant 0 : i32
      %dma_wait3A_47 = tpu.memref_slice %arg3[%add3A_23, %dma_wait3A] : memref<2560x125xi32, #tpu.memory_space<hbm>> -> memref<40x125xi32, #tpu.memory_space<hbm>>
      %dma_wait3A_48 = arith.constant 0 : i32
      %dma_wait3A_49 = tpu.memref_slice %arg3[%add3A_23, %dma_wait3A_48] : memref<2560x125xi32, #tpu.memory_space<hbm>> -> memref<40x125xi32, #tpu.memory_space<hbm>>
      tpu.wait_dma2 semaphore(%run_scoped3A : memref<!tpu.dma_semaphore, #tpu.memory_space<semaphore_mem>>) src(%dma_wait3A_49 : memref<40x125xi32, #tpu.memory_space<hbm>>) dst(%arg7 : memref<40x125xi32, #tpu.memory_space<vmem>>)
      tpu.yield
    }) : () -> ()
    "tpu.region"() ({
      %run_scoped3A = tpu.sem_alloc : memref<!tpu.dma_semaphore, #tpu.memory_space<semaphore_mem>>
      %dma_start3A_43 = arith.constant 0 : i32
      %dma_start3A_44 = tpu.memref_slice %arg4[%add3A_23, %dma_start3A_43] : memref<2560x125xi32, #tpu.memory_space<hbm>> -> memref<40x125xi32, #tpu.memory_space<hbm>>
      %dma_start3A_45 = arith.constant 0 : i32
      %dma_start3A_46 = tpu.memref_slice %arg4[%add3A_23, %dma_start3A_45] : memref<2560x125xi32, #tpu.memory_space<hbm>> -> memref<40x125xi32, #tpu.memory_space<hbm>>
      tpu.enqueue_dma source(%dma_start3A_46 : memref<40x125xi32, #tpu.memory_space<hbm>>) target(%arg8 : memref<40x125xi32, #tpu.memory_space<vmem>>) target_semaphore(%run_scoped3A : memref<!tpu.dma_semaphore, #tpu.memory_space<semaphore_mem>>)
      %dma_wait3A = arith.constant 0 : i32
      %dma_wait3A_47 = tpu.memref_slice %arg4[%add3A_23, %dma_wait3A] : memref<2560x125xi32, #tpu.memory_space<hbm>> -> memref<40x125xi32, #tpu.memory_space<hbm>>
      %dma_wait3A_48 = arith.constant 0 : i32
      %dma_wait3A_49 = tpu.memref_slice %arg4[%add3A_23, %dma_wait3A_48] : memref<2560x125xi32, #tpu.memory_space<hbm>> -> memref<40x125xi32, #tpu.memory_space<hbm>>
      tpu.wait_dma2 semaphore(%run_scoped3A : memref<!tpu.dma_semaphore, #tpu.memory_space<semaphore_mem>>) src(%dma_wait3A_49 : memref<40x125xi32, #tpu.memory_space<hbm>>) dst(%arg8 : memref<40x125xi32, #tpu.memory_space<vmem>>)
      tpu.yield
    }) : () -> ()
    %dma_start3A_24 = arith.constant 0 : i32
    %dma_start3A_25 = arith.constant 0 : i32
    %dma_start3A_26 = tpu.memref_slice %arg7[%dma_start3A_24, %dma_start3A_25] : memref<40x125xi32, #tpu.memory_space<vmem>> -> memref<1x125xi32, #tpu.memory_space<vmem>>
    %dma_start3A_27 = tpu.memref_squeeze %dma_start3A_26 : memref<1x125xi32, #tpu.memory_space<vmem>> -> memref<125xi32, #tpu.memory_space<vmem>>
    %dma_start3A_28 = arith.constant 0 : i32
    %dma_start3A_29 = arith.constant 0 : i32
    %dma_start3A_30 = tpu.memref_slice %arg2[%dma_start3A_28, %dma_start3A_29] : memref<10000x128xf32, #tpu.memory_space<hbm>> -> memref<10000x128xf32, #tpu.memory_space<hbm>>
    tpu.enqueue_indirect_dma source(%dma_start3A_30 : memref<10000x128xf32, #tpu.memory_space<hbm>>) target(%arg9 : memref<125x128xf32, #tpu.memory_space<vmem>>) offsets(%dma_start3A_27 : memref<125xi32, #tpu.memory_space<vmem>>) semaphore(%arg12 : memref<!tpu.dma_semaphore, #tpu.memory_space<semaphore_mem>>)
    %scan3A_31 = arith.constant 0 : i32
    %scan3A_32 = arith.constant 0 : i32
    %scan3A_33 = arith.constant 40 : i32
    %scan3A_34 = arith.addi %scan3A_32, %scan3A_33 : i32
    %scan3A_35 = arith.constant 1 : i32
    scf.for %scan3A_43 = %scan3A_32 to %scan3A_34 step %scan3A_35  : i32 {
      %jit3A = arith.constant 2 : i32
      %eq3A_44 = arith.constant 0 : i32
      %eq3A_45 = arith.cmpi eq, %jit3A, %eq3A_44 : i32
      %jit3A_46 = arith.constant 1 : i32
      %select_n3A = arith.select %eq3A_45, %jit3A_46, %jit3A : i32
      %rem3A = arith.remsi %scan3A_43, %select_n3A : i32
      %ne3A = arith.constant 0 : i32
      %ne3A_47 = arith.cmpi ne, %rem3A, %ne3A : i32
      %lt3A = arith.constant 0 : i32
      %lt3A_48 = arith.cmpi slt, %rem3A, %lt3A : i32
      %lt3A_49 = arith.constant 0 : i32
      %lt3A_50 = arith.cmpi slt, %select_n3A, %lt3A_49 : i32
      %ne3A_51 = arith.xori %lt3A_48, %lt3A_50 : i1
      %and3A = arith.andi %ne3A_51, %ne3A_47 : i1
      %add3A_52 = arith.addi %rem3A, %select_n3A : i32
      %select_n3A_53 = arith.select %and3A, %add3A_52, %rem3A : i32
      %eq3A_54 = arith.constant 0 : i32
      %eq3A_55 = arith.cmpi eq, %select_n3A_53, %eq3A_54 : i32
      %convert_element_type3A_56 = arith.extui %eq3A_55 : i1 to i32
      %cond3A_57 = arith.constant 0 : i32
      %cond3A_58 = arith.cmpi ne, %convert_element_type3A_56, %cond3A_57 : i32
      scf.if %cond3A_58 {
        %dma_wait3A = arith.constant 0 : i32
        %dma_wait3A_80 = tpu.memref_slice %arg7[%scan3A_43, %dma_wait3A] : memref<40x125xi32, #tpu.memory_space<vmem>> -> memref<1x125xi32, #tpu.memory_space<vmem>>
        %dma_wait3A_81 = tpu.memref_squeeze %dma_wait3A_80 : memref<1x125xi32, #tpu.memory_space<vmem>> -> memref<125xi32, #tpu.memory_space<vmem>>
        %dma_wait3A_82 = arith.constant 0 : i32
        %dma_wait3A_83 = arith.constant 0 : i32
        %dma_wait3A_84 = tpu.memref_slice %arg2[%dma_wait3A_82, %dma_wait3A_83] : memref<10000x128xf32, #tpu.memory_space<hbm>> -> memref<10000x128xf32, #tpu.memory_space<hbm>>
        tpu.wait_indirect_dma semaphore(%arg12 : memref<!tpu.dma_semaphore, #tpu.memory_space<semaphore_mem>>) src(%dma_wait3A_84 : memref<10000x128xf32, #tpu.memory_space<hbm>>) dst(%arg9 : memref<125x128xf32, #tpu.memory_space<vmem>>)
        %add3A_85 = arith.constant 1 : i32
        %add3A_86 = arith.addi %scan3A_43, %add3A_85 : i32
        %lt3A_87 = arith.constant 40 : i32
        %lt3A_88 = arith.cmpi slt, %add3A_86, %lt3A_87 : i32
        %convert_element_type3A_89 = arith.extui %lt3A_88 : i1 to i32
        %cond3A_90 = arith.constant 0 : i32
        %cond3A_91 = arith.cmpi ne, %convert_element_type3A_89, %cond3A_90 : i32
        scf.if %cond3A_91 {
          %add3A_92 = arith.constant 1 : i32
          %add3A_93 = arith.addi %scan3A_43, %add3A_92 : i32
          %dma_start3A_94 = arith.constant 0 : i32
          %dma_start3A_95 = tpu.memref_slice %arg7[%add3A_93, %dma_start3A_94] : memref<40x125xi32, #tpu.memory_space<vmem>> -> memref<1x125xi32, #tpu.memory_space<vmem>>
          %dma_start3A_96 = tpu.memref_squeeze %dma_start3A_95 : memref<1x125xi32, #tpu.memory_space<vmem>> -> memref<125xi32, #tpu.memory_space<vmem>>
          %dma_start3A_97 = arith.constant 0 : i32
          %dma_start3A_98 = arith.constant 0 : i32
          %dma_start3A_99 = tpu.memref_slice %arg2[%dma_start3A_97, %dma_start3A_98] : memref<10000x128xf32, #tpu.memory_space<hbm>> -> memref<10000x128xf32, #tpu.memory_space<hbm>>
          tpu.enqueue_indirect_dma source(%dma_start3A_99 : memref<10000x128xf32, #tpu.memory_space<hbm>>) target(%arg10 : memref<125x128xf32, #tpu.memory_space<vmem>>) offsets(%dma_start3A_96 : memref<125xi32, #tpu.memory_space<vmem>>) semaphore(%arg13 : memref<!tpu.dma_semaphore, #tpu.memory_space<semaphore_mem>>)
        } else {
        }
        "tpu.region"() ({
          %run_scoped3A = tpu.sem_alloc : memref<!tpu.dma_semaphore, #tpu.memory_space<semaphore_mem>>
          %dma_start3A_92 = arith.constant 0 : i32
          %dma_start3A_93 = tpu.memref_slice %arg8[%scan3A_43, %dma_start3A_92] : memref<40x125xi32, #tpu.memory_space<vmem>> -> memref<1x125xi32, #tpu.memory_space<vmem>>
          %dma_start3A_94 = tpu.memref_squeeze %dma_start3A_93 : memref<1x125xi32, #tpu.memory_space<vmem>> -> memref<125xi32, #tpu.memory_space<vmem>>
          %dma_start3A_95 = arith.constant 0 : i32
          %dma_start3A_96 = arith.constant 0 : i32
          %dma_start3A_97 = tpu.memref_slice %arg11[%dma_start3A_95, %dma_start3A_96] : memref<10000x128xf32, #tpu.memory_space<vmem_shared>> -> memref<10000x128xf32, #tpu.memory_space<vmem_shared>>
          tpu.enqueue_indirect_dma source(%arg9 : memref<125x128xf32, #tpu.memory_space<vmem>>) target(%dma_start3A_97 : memref<10000x128xf32, #tpu.memory_space<vmem_shared>>) offsets(%dma_start3A_94 : memref<125xi32, #tpu.memory_space<vmem>>) semaphore(%run_scoped3A : memref<!tpu.dma_semaphore, #tpu.memory_space<semaphore_mem>>) {add = true}
          %dma_wait3A_98 = arith.constant 0 : i32
          %dma_wait3A_99 = tpu.memref_slice %arg8[%scan3A_43, %dma_wait3A_98] : memref<40x125xi32, #tpu.memory_space<vmem>> -> memref<1x125xi32, #tpu.memory_space<vmem>>
          %dma_wait3A_100 = tpu.memref_squeeze %dma_wait3A_99 : memref<1x125xi32, #tpu.memory_space<vmem>> -> memref<125xi32, #tpu.memory_space<vmem>>
          %dma_wait3A_101 = arith.constant 0 : i32
          %dma_wait3A_102 = arith.constant 0 : i32
          %dma_wait3A_103 = tpu.memref_slice %arg11[%dma_wait3A_101, %dma_wait3A_102] : memref<10000x128xf32, #tpu.memory_space<vmem_shared>> -> memref<10000x128xf32, #tpu.memory_space<vmem_shared>>
          tpu.wait_indirect_dma semaphore(%run_scoped3A : memref<!tpu.dma_semaphore, #tpu.memory_space<semaphore_mem>>) src(%arg9 : memref<125x128xf32, #tpu.memory_space<vmem>>) dst(%dma_wait3A_103 : memref<10000x128xf32, #tpu.memory_space<vmem_shared>>)
          tpu.yield
        }) : () -> ()
      } else {
      }
      %jit3A_59 = arith.constant 2 : i32
      %eq3A_60 = arith.constant 0 : i32
      %eq3A_61 = arith.cmpi eq, %jit3A_59, %eq3A_60 : i32
      %jit3A_62 = arith.constant 1 : i32
      %select_n3A_63 = arith.select %eq3A_61, %jit3A_62, %jit3A_59 : i32
      %rem3A_64 = arith.remsi %scan3A_43, %select_n3A_63 : i32
      %ne3A_65 = arith.constant 0 : i32
      %ne3A_66 = arith.cmpi ne, %rem3A_64, %ne3A_65 : i32
      %lt3A_67 = arith.constant 0 : i32
      %lt3A_68 = arith.cmpi slt, %rem3A_64, %lt3A_67 : i32
      %lt3A_69 = arith.constant 0 : i32
      %lt3A_70 = arith.cmpi slt, %select_n3A_63, %lt3A_69 : i32
      %ne3A_71 = arith.xori %lt3A_68, %lt3A_70 : i1
      %and3A_72 = arith.andi %ne3A_71, %ne3A_66 : i1
      %add3A_73 = arith.addi %rem3A_64, %select_n3A_63 : i32
      %select_n3A_74 = arith.select %and3A_72, %add3A_73, %rem3A_64 : i32
      %eq3A_75 = arith.constant 1 : i32
      %eq3A_76 = arith.cmpi eq, %select_n3A_74, %eq3A_75 : i32
      %convert_element_type3A_77 = arith.extui %eq3A_76 : i1 to i32
      %cond3A_78 = arith.constant 0 : i32
      %cond3A_79 = arith.cmpi ne, %convert_element_type3A_77, %cond3A_78 : i32
      scf.if %cond3A_79 {
        %dma_wait3A = arith.constant 0 : i32
        %dma_wait3A_80 = tpu.memref_slice %arg7[%scan3A_43, %dma_wait3A] : memref<40x125xi32, #tpu.memory_space<vmem>> -> memref<1x125xi32, #tpu.memory_space<vmem>>
        %dma_wait3A_81 = tpu.memref_squeeze %dma_wait3A_80 : memref<1x125xi32, #tpu.memory_space<vmem>> -> memref<125xi32, #tpu.memory_space<vmem>>
        %dma_wait3A_82 = arith.constant 0 : i32
        %dma_wait3A_83 = arith.constant 0 : i32
        %dma_wait3A_84 = tpu.memref_slice %arg2[%dma_wait3A_82, %dma_wait3A_83] : memref<10000x128xf32, #tpu.memory_space<hbm>> -> memref<10000x128xf32, #tpu.memory_space<hbm>>
        tpu.wait_indirect_dma semaphore(%arg13 : memref<!tpu.dma_semaphore, #tpu.memory_space<semaphore_mem>>) src(%dma_wait3A_84 : memref<10000x128xf32, #tpu.memory_space<hbm>>) dst(%arg10 : memref<125x128xf32, #tpu.memory_space<vmem>>)
        %add3A_85 = arith.constant 1 : i32
        %add3A_86 = arith.addi %scan3A_43, %add3A_85 : i32
        %lt3A_87 = arith.constant 40 : i32
        %lt3A_88 = arith.cmpi slt, %add3A_86, %lt3A_87 : i32
        %convert_element_type3A_89 = arith.extui %lt3A_88 : i1 to i32
        %cond3A_90 = arith.constant 0 : i32
        %cond3A_91 = arith.cmpi ne, %convert_element_type3A_89, %cond3A_90 : i32
        scf.if %cond3A_91 {
          %add3A_92 = arith.constant 1 : i32
          %add3A_93 = arith.addi %scan3A_43, %add3A_92 : i32
          %dma_start3A_94 = arith.constant 0 : i32
          %dma_start3A_95 = tpu.memref_slice %arg7[%add3A_93, %dma_start3A_94] : memref<40x125xi32, #tpu.memory_space<vmem>> -> memref<1x125xi32, #tpu.memory_space<vmem>>
          %dma_start3A_96 = tpu.memref_squeeze %dma_start3A_95 : memref<1x125xi32, #tpu.memory_space<vmem>> -> memref<125xi32, #tpu.memory_space<vmem>>
          %dma_start3A_97 = arith.constant 0 : i32
          %dma_start3A_98 = arith.constant 0 : i32
          %dma_start3A_99 = tpu.memref_slice %arg2[%dma_start3A_97, %dma_start3A_98] : memref<10000x128xf32, #tpu.memory_space<hbm>> -> memref<10000x128xf32, #tpu.memory_space<hbm>>
          tpu.enqueue_indirect_dma source(%dma_start3A_99 : memref<10000x128xf32, #tpu.memory_space<hbm>>) target(%arg9 : memref<125x128xf32, #tpu.memory_space<vmem>>) offsets(%dma_start3A_96 : memref<125xi32, #tpu.memory_space<vmem>>) semaphore(%arg12 : memref<!tpu.dma_semaphore, #tpu.memory_space<semaphore_mem>>)
        } else {
        }
        "tpu.region"() ({
          %run_scoped3A = tpu.sem_alloc : memref<!tpu.dma_semaphore, #tpu.memory_space<semaphore_mem>>
          %dma_start3A_92 = arith.constant 0 : i32
          %dma_start3A_93 = tpu.memref_slice %arg8[%scan3A_43, %dma_start3A_92] : memref<40x125xi32, #tpu.memory_space<vmem>> -> memref<1x125xi32, #tpu.memory_space<vmem>>
          %dma_start3A_94 = tpu.memref_squeeze %dma_start3A_93 : memref<1x125xi32, #tpu.memory_space<vmem>> -> memref<125xi32, #tpu.memory_space<vmem>>
          %dma_start3A_95 = arith.constant 0 : i32
          %dma_start3A_96 = arith.constant 0 : i32
          %dma_start3A_97 = tpu.memref_slice %arg11[%dma_start3A_95, %dma_start3A_96] : memref<10000x128xf32, #tpu.memory_space<vmem_shared>> -> memref<10000x128xf32, #tpu.memory_space<vmem_shared>>
          tpu.enqueue_indirect_dma source(%arg10 : memref<125x128xf32, #tpu.memory_space<vmem>>) target(%dma_start3A_97 : memref<10000x128xf32, #tpu.memory_space<vmem_shared>>) offsets(%dma_start3A_94 : memref<125xi32, #tpu.memory_space<vmem>>) semaphore(%run_scoped3A : memref<!tpu.dma_semaphore, #tpu.memory_space<semaphore_mem>>) {add = true}
          %dma_wait3A_98 = arith.constant 0 : i32
          %dma_wait3A_99 = tpu.memref_slice %arg8[%scan3A_43, %dma_wait3A_98] : memref<40x125xi32, #tpu.memory_space<vmem>> -> memref<1x125xi32, #tpu.memory_space<vmem>>
          %dma_wait3A_100 = tpu.memref_squeeze %dma_wait3A_99 : memref<1x125xi32, #tpu.memory_space<vmem>> -> memref<125xi32, #tpu.memory_space<vmem>>
          %dma_wait3A_101 = arith.constant 0 : i32
          %dma_wait3A_102 = arith.constant 0 : i32
          %dma_wait3A_103 = tpu.memref_slice %arg11[%dma_wait3A_101, %dma_wait3A_102] : memref<10000x128xf32, #tpu.memory_space<vmem_shared>> -> memref<10000x128xf32, #tpu.memory_space<vmem_shared>>
          tpu.wait_indirect_dma semaphore(%run_scoped3A : memref<!tpu.dma_semaphore, #tpu.memory_space<semaphore_mem>>) src(%arg10 : memref<125x128xf32, #tpu.memory_space<vmem>>) dst(%dma_wait3A_103 : memref<10000x128xf32, #tpu.memory_space<vmem_shared>>)
          tpu.yield
        }) : () -> ()
      } else {
      }
    }
    %scan3A_36 = arith.constant 40 : i32
    %barrier3A_37 = arith.constant 0 : index
    tpu.barrier barrier_id(%barrier3A_37)
    "tpu.region"() ({
      %run_scoped3A = tpu.sem_alloc : memref<!tpu.dma_semaphore, #tpu.memory_space<semaphore_mem>>
      %dma_start3A_43 = arith.constant 0 : i32
      %dma_start3A_44 = tpu.memref_slice %arg6[%arg0, %mul3A_2, %dma_start3A_43] : memref<2x10000x128xf32, #tpu.memory_space<hbm>> -> memref<1x624x128xf32, #tpu.memory_space<hbm>>
      %dma_start3A_45 = tpu.memref_squeeze %dma_start3A_44 : memref<1x624x128xf32, #tpu.memory_space<hbm>> -> memref<624x128xf32, #tpu.memory_space<hbm>>
      %dma_start3A_46 = arith.constant 0 : i32
      %dma_start3A_47 = tpu.memref_slice %arg11[%mul3A_2, %dma_start3A_46] : memref<10000x128xf32, #tpu.memory_space<vmem_shared>> -> memref<624x128xf32, #tpu.memory_space<vmem_shared>>
      tpu.enqueue_dma source(%dma_start3A_47 : memref<624x128xf32, #tpu.memory_space<vmem_shared>>) target(%dma_start3A_45 : memref<624x128xf32, #tpu.memory_space<hbm>>) target_semaphore(%run_scoped3A : memref<!tpu.dma_semaphore, #tpu.memory_space<semaphore_mem>>)
      %dma_wait3A = arith.constant 0 : i32
      %dma_wait3A_48 = tpu.memref_slice %arg6[%arg0, %mul3A_2, %dma_wait3A] : memref<2x10000x128xf32, #tpu.memory_space<hbm>> -> memref<1x624x128xf32, #tpu.memory_space<hbm>>
      %dma_wait3A_49 = tpu.memref_squeeze %dma_wait3A_48 : memref<1x624x128xf32, #tpu.memory_space<hbm>> -> memref<624x128xf32, #tpu.memory_space<hbm>>
      %dma_wait3A_50 = arith.constant 0 : i32
      %dma_wait3A_51 = tpu.memref_slice %arg11[%mul3A_2, %dma_wait3A_50] : memref<10000x128xf32, #tpu.memory_space<vmem_shared>> -> memref<624x128xf32, #tpu.memory_space<vmem_shared>>
      tpu.wait_dma2 semaphore(%run_scoped3A : memref<!tpu.dma_semaphore, #tpu.memory_space<semaphore_mem>>) src(%dma_wait3A_51 : memref<624x128xf32, #tpu.memory_space<vmem_shared>>) dst(%dma_wait3A_49 : memref<624x128xf32, #tpu.memory_space<hbm>>)
      tpu.yield
    }) : () -> ()
    %eq3A_38 = arith.constant 15 : i32
    %eq3A_39 = arith.cmpi eq, %arg1, %eq3A_38 : i32
    %convert_element_type3A_40 = arith.extui %eq3A_39 : i1 to i32
    %cond3A_41 = arith.constant 0 : i32
    %cond3A_42 = arith.cmpi ne, %convert_element_type3A_40, %cond3A_41 : i32
    scf.if %cond3A_42 {
      "tpu.region"() ({
        %run_scoped3A = tpu.sem_alloc : memref<!tpu.dma_semaphore, #tpu.memory_space<semaphore_mem>>
        %dma_start3A_43 = arith.constant 9984 : i32
        %dma_start3A_44 = arith.constant 0 : i32
        %dma_start3A_45 = tpu.memref_slice %arg6[%arg0, %dma_start3A_43, %dma_start3A_44] : memref<2x10000x128xf32, #tpu.memory_space<hbm>> -> memref<1x16x128xf32, #tpu.memory_space<hbm>>
        %dma_start3A_46 = tpu.memref_squeeze %dma_start3A_45 : memref<1x16x128xf32, #tpu.memory_space<hbm>> -> memref<16x128xf32, #tpu.memory_space<hbm>>
        %dma_start3A_47 = arith.constant 9984 : i32
        %dma_start3A_48 = arith.constant 0 : i32
        %dma_start3A_49 = tpu.memref_slice %arg11[%dma_start3A_47, %dma_start3A_48] : memref<10000x128xf32, #tpu.memory_space<vmem_shared>> -> memref<16x128xf32, #tpu.memory_space<vmem_shared>>
        tpu.enqueue_dma source(%dma_start3A_49 : memref<16x128xf32, #tpu.memory_space<vmem_shared>>) target(%dma_start3A_46 : memref<16x128xf32, #tpu.memory_space<hbm>>) target_semaphore(%run_scoped3A : memref<!tpu.dma_semaphore, #tpu.memory_space<semaphore_mem>>)
        %dma_wait3A = arith.constant 9984 : i32
        %dma_wait3A_50 = arith.constant 0 : i32
        %dma_wait3A_51 = tpu.memref_slice %arg6[%arg0, %dma_wait3A, %dma_wait3A_50] : memref<2x10000x128xf32, #tpu.memory_space<hbm>> -> memref<1x16x128xf32, #tpu.memory_space<hbm>>
        %dma_wait3A_52 = tpu.memref_squeeze %dma_wait3A_51 : memref<1x16x128xf32, #tpu.memory_space<hbm>> -> memref<16x128xf32, #tpu.memory_space<hbm>>
        %dma_wait3A_53 = arith.constant 9984 : i32
        %dma_wait3A_54 = arith.constant 0 : i32
        %dma_wait3A_55 = tpu.memref_slice %arg11[%dma_wait3A_53, %dma_wait3A_54] : memref<10000x128xf32, #tpu.memory_space<vmem_shared>> -> memref<16x128xf32, #tpu.memory_space<vmem_shared>>
        tpu.wait_dma2 semaphore(%run_scoped3A : memref<!tpu.dma_semaphore, #tpu.memory_space<semaphore_mem>>) src(%dma_wait3A_55 : memref<16x128xf32, #tpu.memory_space<vmem_shared>>) dst(%dma_wait3A_52 : memref<16x128xf32, #tpu.memory_space<hbm>>)
        tpu.yield
      }) : () -> ()
    } else {
    }
    return
  }
}

module attributes {stable_mosaic.version = 14 : i64} {
  func.func @_relu_kernel(%arg0: i32, %arg1: memref<1000x128xf32, #tpu.memory_space<vmem>>, %arg2: memref<1000x128xf32, #tpu.memory_space<vmem>>) attributes {dimension_semantics = [#tpu.dimension_semantics<arbitrary>], iteration_bounds = array<i64: 10>, scalar_prefetch = 0 : i64, scratch_operands = 0 : i64, tpu.core_type = #tpu.core_type<tc>, window_params = [{transform_indices = @transform_0, window_bounds = array<i64: 1000, 128>}, {transform_indices = @transform_1, window_bounds = array<i64: 1000, 128>}]} {
    %get3A = arith.constant 0 : index
    %get3A_0 = arith.constant 0 : index
    %get3A_1 = vector.load %arg1[%get3A, %get3A_0] : memref<1000x128xf32, #tpu.memory_space<vmem>>, vector<1000x128xf32>
    %max3A = arith.constant 0.000000e+00 : f32
    %max3A_2 = vector.broadcast %max3A : f32 to vector<1000x128xf32>
    %max3A_3 = arith.maximumf %get3A_1, %max3A_2 : vector<1000x128xf32>
    %swap3A = arith.constant 0 : index
    %swap3A_4 = arith.constant 0 : index
    %swap3A_5 = vector.load %arg2[%swap3A, %swap3A_4] : memref<1000x128xf32, #tpu.memory_space<vmem>>, vector<1000x128xf32>
    tpu.vector_store %arg2[%swap3A, %swap3A_4], %max3A_3 {strides = array<i32>} : memref<1000x128xf32, #tpu.memory_space<vmem>>, vector<1000x128xf32>,
    return
  }
  func.func @transform_0(%arg0: i32) -> (i32, i32) {
    %c0_i32 = arith.constant 0 : i32
    %c0_i32_0 = arith.constant 0 : i32
    return %arg0, %c0_i32 : i32, i32
  }
  func.func @transform_1(%arg0: i32) -> (i32, i32) {
    %c0_i32 = arith.constant 0 : i32
    %c0_i32_0 = arith.constant 0 : i32
    return %arg0, %c0_i32 : i32, i32
  }
}

module attributes {stable_mosaic.version = 14 : i64} {
  func.func @_dense_kernel(%arg0: i32, %arg1: memref<1000x128xf32, #tpu.memory_space<vmem>>, %arg2: memref<1000x128xf32, #tpu.memory_space<vmem>>, %arg3: memref<1000x128xf32, #tpu.memory_space<vmem>>, %arg4: memref<128x128xf32, #tpu.memory_space<vmem>>, %arg5: memref<1x128xf32, #tpu.memory_space<vmem>>, %arg6: memref<1000x128xf32, #tpu.memory_space<vmem>>) attributes {dimension_semantics = [#tpu.dimension_semantics<arbitrary>], iteration_bounds = array<i64: 10>, scalar_prefetch = 0 : i64, scratch_operands = 0 : i64, tpu.core_type = #tpu.core_type<tc>, window_params = [{transform_indices = @transform_0, window_bounds = array<i64: 1000, 128>}, {transform_indices = @transform_1, window_bounds = array<i64: 1000, 128>}, {transform_indices = @transform_2, window_bounds = array<i64: 1000, 128>}, {pipeline_mode = #tpu.pipeline_mode<synchronous>, transform_indices = @transform_3, window_bounds = array<i64: 128, 128>}, {pipeline_mode = #tpu.pipeline_mode<synchronous>, transform_indices = @transform_4, window_bounds = array<i64: 1, 128>}, {transform_indices = @transform_5, window_bounds = array<i64: 1000, 128>}]} {
    %get3A = arith.constant 0 : index
    %get3A_0 = arith.constant 0 : index
    %get3A_1 = vector.load %arg1[%get3A, %get3A_0] : memref<1000x128xf32, #tpu.memory_space<vmem>>, vector<1000x128xf32>
    %get3A_2 = arith.constant 0 : index
    %get3A_3 = arith.constant 0 : index
    %get3A_4 = vector.load %arg2[%get3A_2, %get3A_3] : memref<1000x128xf32, #tpu.memory_space<vmem>>, vector<1000x128xf32>
    %add3A = arith.addf %get3A_1, %get3A_4 : vector<1000x128xf32>
    %get3A_5 = arith.constant 0 : index
    %get3A_6 = arith.constant 0 : index
    %get3A_7 = vector.load %arg3[%get3A_5, %get3A_6] : memref<1000x128xf32, #tpu.memory_space<vmem>>, vector<1000x128xf32>
    %add3A_8 = arith.addf %add3A, %get3A_7 : vector<1000x128xf32>
    %get3A_9 = arith.constant 0 : index
    %get3A_10 = arith.constant 0 : index
    %get3A_11 = vector.load %arg4[%get3A_9, %get3A_10] : memref<128x128xf32, #tpu.memory_space<vmem>>, vector<128x128xf32>
    %dot_general3A = arith.constant dense<0.000000e+00> : vector<1000x128xf32>
    %dot_general3A_12 = tpu.matmul %add3A_8, %get3A_11, %dot_general3A {dimension_numbers = #tpu.dot_dimension_numbers<[1], [0], [0], [1], [0, 0, 1, 1], [], []>, transpose_lhs_hint = false} : vector<1000x128xf32>, vector<128x128xf32>, vector<1000x128xf32> -> vector<1000x128xf32>
    %get3A_13 = arith.constant 0 : index
    %get3A_14 = arith.constant 0 : index
    %get3A_15 = vector.load %arg5[%get3A_13, %get3A_14] : memref<1x128xf32, #tpu.memory_space<vmem>>, vector<1x128xf32>
    %add3A_16 = vector.broadcast %get3A_15 : vector<1x128xf32> to vector<1000x128xf32>
    %add3A_17 = arith.addf %dot_general3A_12, %add3A_16 : vector<1000x128xf32>
    %max3A = arith.constant 0.000000e+00 : f32
    %max3A_18 = vector.broadcast %max3A : f32 to vector<1000x128xf32>
    %max3A_19 = arith.maximumf %add3A_17, %max3A_18 : vector<1000x128xf32>
    %swap3A = arith.constant 0 : index
    %swap3A_20 = arith.constant 0 : index
    %swap3A_21 = vector.load %arg6[%swap3A, %swap3A_20] : memref<1000x128xf32, #tpu.memory_space<vmem>>, vector<1000x128xf32>
    tpu.vector_store %arg6[%swap3A, %swap3A_20], %max3A_19 {strides = array<i32>} : memref<1000x128xf32, #tpu.memory_space<vmem>>, vector<1000x128xf32>,
    return
  }
  func.func @transform_0(%arg0: i32) -> (i32, i32) {
    %c0_i32 = arith.constant 0 : i32
    %c0_i32_0 = arith.constant 0 : i32
    return %arg0, %c0_i32 : i32, i32
  }
  func.func @transform_1(%arg0: i32) -> (i32, i32) {
    %c0_i32 = arith.constant 0 : i32
    %c0_i32_0 = arith.constant 0 : i32
    return %arg0, %c0_i32 : i32, i32
  }
  func.func @transform_2(%arg0: i32) -> (i32, i32) {
    %c0_i32 = arith.constant 0 : i32
    %c0_i32_0 = arith.constant 0 : i32
    return %arg0, %c0_i32 : i32, i32
  }
  func.func @transform_3(%arg0: i32) -> (i32, i32) {
    %c0_i32 = arith.constant 0 : i32
    %c0_i32_0 = arith.constant 0 : i32
    %c0_i32_1 = arith.constant 0 : i32
    return %c0_i32, %c0_i32_0 : i32, i32
  }
  func.func @transform_4(%arg0: i32) -> (i32, i32) {
    %c0_i32 = arith.constant 0 : i32
    %c0_i32_0 = arith.constant 0 : i32
    %c0_i32_1 = arith.constant 0 : i32
    return %c0_i32, %c0_i32_0 : i32, i32
  }
  func.func @transform_5(%arg0: i32) -> (i32, i32) {
    %c0_i32 = arith.constant 0 : i32
    %c0_i32_0 = arith.constant 0 : i32
    return %arg0, %c0_i32 : i32, i32
  }
}

module attributes {stable_mosaic.version = 14 : i64} {
  func.func @_final_kernel(%arg0: i32, %arg1: memref<1000x128xf32, #tpu.memory_space<vmem>>, %arg2: memref<1000x128xf32, #tpu.memory_space<vmem>>, %arg3: memref<1000x128xf32, #tpu.memory_space<vmem>>, %arg4: memref<128x128xf32, #tpu.memory_space<vmem>>, %arg5: memref<1x128xf32, #tpu.memory_space<vmem>>, %arg6: memref<1000x1xi32, #tpu.memory_space<vmem>>, %arg7: memref<128x64xf32, #tpu.memory_space<vmem>>, %arg8: memref<1x64xf32, #tpu.memory_space<vmem>>, %arg9: memref<512x64xf32, #tpu.memory_space<vmem>>, %arg10: memref<512x128xf32, #tpu.memory_space<vmem>>) attributes {dimension_semantics = [#tpu.dimension_semantics<arbitrary>], iteration_bounds = array<i64: 10>, scalar_prefetch = 0 : i64, scratch_operands = 1 : i64, tpu.core_type = #tpu.core_type<tc>, window_params = [{transform_indices = @transform_0, window_bounds = array<i64: 1000, 128>}, {transform_indices = @transform_1, window_bounds = array<i64: 1000, 128>}, {transform_indices = @transform_2, window_bounds = array<i64: 1000, 128>}, {pipeline_mode = #tpu.pipeline_mode<synchronous>, transform_indices = @transform_3, window_bounds = array<i64: 128, 128>}, {pipeline_mode = #tpu.pipeline_mode<synchronous>, transform_indices = @transform_4, window_bounds = array<i64: 1, 128>}, {transform_indices = @transform_5, window_bounds = array<i64: 1000, 1>}, {pipeline_mode = #tpu.pipeline_mode<synchronous>, transform_indices = @transform_6, window_bounds = array<i64: 128, 64>}, {pipeline_mode = #tpu.pipeline_mode<synchronous>, transform_indices = @transform_7, window_bounds = array<i64: 1, 64>}, {pipeline_mode = #tpu.pipeline_mode<synchronous>, transform_indices = @transform_8, window_bounds = array<i64: 512, 64>}]} {
    %get3A = arith.constant 0 : index
    %get3A_0 = arith.constant 0 : index
    %get3A_1 = vector.load %arg1[%get3A, %get3A_0] : memref<1000x128xf32, #tpu.memory_space<vmem>>, vector<1000x128xf32>
    %get3A_2 = arith.constant 0 : index
    %get3A_3 = arith.constant 0 : index
    %get3A_4 = vector.load %arg2[%get3A_2, %get3A_3] : memref<1000x128xf32, #tpu.memory_space<vmem>>, vector<1000x128xf32>
    %add3A = arith.addf %get3A_1, %get3A_4 : vector<1000x128xf32>
    %get3A_5 = arith.constant 0 : index
    %get3A_6 = arith.constant 0 : index
    %get3A_7 = vector.load %arg3[%get3A_5, %get3A_6] : memref<1000x128xf32, #tpu.memory_space<vmem>>, vector<1000x128xf32>
    %add3A_8 = arith.addf %add3A, %get3A_7 : vector<1000x128xf32>
    %get3A_9 = arith.constant 0 : index
    %get3A_10 = arith.constant 0 : index
    %get3A_11 = vector.load %arg4[%get3A_9, %get3A_10] : memref<128x128xf32, #tpu.memory_space<vmem>>, vector<128x128xf32>
    %dot_general3A = arith.constant dense<0.000000e+00> : vector<1000x128xf32>
    %dot_general3A_12 = tpu.matmul %add3A_8, %get3A_11, %dot_general3A {dimension_numbers = #tpu.dot_dimension_numbers<[1], [0], [0], [1], [0, 0, 1, 1], [], []>, transpose_lhs_hint = false} : vector<1000x128xf32>, vector<128x128xf32>, vector<1000x128xf32> -> vector<1000x128xf32>
    %get3A_13 = arith.constant 0 : index
    %get3A_14 = arith.constant 0 : index
    %get3A_15 = vector.load %arg5[%get3A_13, %get3A_14] : memref<1x128xf32, #tpu.memory_space<vmem>>, vector<1x128xf32>
    %add3A_16 = vector.broadcast %get3A_15 : vector<1x128xf32> to vector<1000x128xf32>
    %add3A_17 = arith.addf %dot_general3A_12, %add3A_16 : vector<1000x128xf32>
    %max3A = arith.constant 0.000000e+00 : f32
    %max3A_18 = vector.broadcast %max3A : f32 to vector<1000x128xf32>
    %max3A_19 = arith.maximumf %add3A_17, %max3A_18 : vector<1000x128xf32>
    %get3A_20 = arith.constant 0 : index
    %get3A_21 = arith.constant 0 : index
    %get3A_22 = vector.load %arg6[%get3A_20, %get3A_21] : memref<1000x1xi32, #tpu.memory_space<vmem>>, vector<1000x1xi32>
    %broadcast_in_dim3A = vector.shape_cast %get3A_22 : vector<1000x1xi32> to vector<1000x1xi32>
    %broadcast_in_dim3A_23 = vector.broadcast %broadcast_in_dim3A : vector<1000x1xi32> to vector<1000x512xi32>
    %iota3A = tpu.iota {dimensions = array<i32: 1>} : vector<1000x512xi32>
    %eq3A = arith.cmpi eq, %broadcast_in_dim3A_23, %iota3A : vector<1000x512xi32>
    %convert_element_type3A = arith.extui %eq3A : vector<1000x512xi1> to vector<1000x512xi32>
    %convert_element_type3A_24 = arith.sitofp %convert_element_type3A : vector<1000x512xi32> to vector<1000x512xf32>
    %dot_general3A_25 = arith.constant dense<0.000000e+00> : vector<512x128xf32>
    %dot_general3A_26 = tpu.matmul %convert_element_type3A_24, %max3A_19, %dot_general3A_25 {dimension_numbers = #tpu.dot_dimension_numbers<[0], [0], [1], [1], [0, 1, 1, 1], [], []>, transpose_lhs_hint = false} : vector<1000x512xf32>, vector<1000x128xf32>, vector<512x128xf32> -> vector<512x128xf32>
    %eq3A_27 = arith.constant 0 : i32
    %eq3A_28 = arith.cmpi eq, %arg0, %eq3A_27 : i32
    %convert_element_type3A_29 = arith.extui %eq3A_28 : i1 to i32
    %cond3A = arith.constant 0 : i32
    %cond3A_30 = arith.cmpi ne, %convert_element_type3A_29, %cond3A : i32
    scf.if %cond3A_30 {
      %swap3A = arith.constant 0 : index
      %swap3A_40 = arith.constant 0 : index
      %swap3A_41 = vector.load %arg10[%swap3A, %swap3A_40] : memref<512x128xf32, #tpu.memory_space<vmem>>, vector<512x128xf32>
      tpu.vector_store %arg10[%swap3A, %swap3A_40], %dot_general3A_26 {strides = array<i32>} : memref<512x128xf32, #tpu.memory_space<vmem>>, vector<512x128xf32>,
    } else {
    }
    %gt3A = arith.constant 0 : i32
    %gt3A_31 = arith.cmpi sgt, %arg0, %gt3A : i32
    %convert_element_type3A_32 = arith.extui %gt3A_31 : i1 to i32
    %cond3A_33 = arith.constant 0 : i32
    %cond3A_34 = arith.cmpi ne, %convert_element_type3A_32, %cond3A_33 : i32
    scf.if %cond3A_34 {
      %get3A_40 = arith.constant 0 : index
      %get3A_41 = arith.constant 0 : index
      %get3A_42 = vector.load %arg10[%get3A_40, %get3A_41] : memref<512x128xf32, #tpu.memory_space<vmem>>, vector<512x128xf32>
      %add3A_43 = arith.addf %get3A_42, %dot_general3A_26 : vector<512x128xf32>
      %swap3A = arith.constant 0 : index
      %swap3A_44 = arith.constant 0 : index
      %swap3A_45 = vector.load %arg10[%swap3A, %swap3A_44] : memref<512x128xf32, #tpu.memory_space<vmem>>, vector<512x128xf32>
      tpu.vector_store %arg10[%swap3A, %swap3A_44], %add3A_43 {strides = array<i32>} : memref<512x128xf32, #tpu.memory_space<vmem>>, vector<512x128xf32>,
    } else {
    }
    %eq3A_35 = arith.constant 9 : i32
    %eq3A_36 = arith.cmpi eq, %arg0, %eq3A_35 : i32
    %convert_element_type3A_37 = arith.extui %eq3A_36 : i1 to i32
    %cond3A_38 = arith.constant 0 : i32
    %cond3A_39 = arith.cmpi ne, %convert_element_type3A_37, %cond3A_38 : i32
    scf.if %cond3A_39 {
      %get3A_40 = arith.constant 0 : index
      %get3A_41 = arith.constant 0 : index
      %get3A_42 = vector.load %arg10[%get3A_40, %get3A_41] : memref<512x128xf32, #tpu.memory_space<vmem>>, vector<512x128xf32>
      %get3A_43 = arith.constant 0 : index
      %get3A_44 = arith.constant 0 : index
      %get3A_45 = vector.load %arg7[%get3A_43, %get3A_44] : memref<128x64xf32, #tpu.memory_space<vmem>>, vector<128x64xf32>
      %dot_general3A_46 = arith.constant dense<0.000000e+00> : vector<512x64xf32>
      %dot_general3A_47 = tpu.matmul %get3A_42, %get3A_45, %dot_general3A_46 {dimension_numbers = #tpu.dot_dimension_numbers<[1], [0], [0], [1], [0, 0, 1, 1], [], []>, transpose_lhs_hint = false} : vector<512x128xf32>, vector<128x64xf32>, vector<512x64xf32> -> vector<512x64xf32>
      %get3A_48 = arith.constant 0 : index
      %get3A_49 = arith.constant 0 : index
      %get3A_50 = vector.load %arg8[%get3A_48, %get3A_49] : memref<1x64xf32, #tpu.memory_space<vmem>>, vector<1x64xf32>
      %add3A_51 = vector.broadcast %get3A_50 : vector<1x64xf32> to vector<512x64xf32>
      %add3A_52 = arith.addf %dot_general3A_47, %add3A_51 : vector<512x64xf32>
      %logistic3A = arith.negf %add3A_52 : vector<512x64xf32>
      %logistic3A_53 = math.exp %logistic3A : vector<512x64xf32>
      %logistic3A_54 = arith.constant 1.000000e+00 : f32
      %logistic3A_55 = vector.broadcast %logistic3A_54 : f32 to vector<512x64xf32>
      %logistic3A_56 = arith.addf %logistic3A_55, %logistic3A_53 : vector<512x64xf32>
      %logistic3A_57 = arith.divf %logistic3A_55, %logistic3A_56 : vector<512x64xf32>
      %swap3A = arith.constant 0 : index
      %swap3A_58 = arith.constant 0 : index
      %swap3A_59 = vector.load %arg9[%swap3A, %swap3A_58] : memref<512x64xf32, #tpu.memory_space<vmem>>, vector<512x64xf32>
      tpu.vector_store %arg9[%swap3A, %swap3A_58], %logistic3A_57 {strides = array<i32>} : memref<512x64xf32, #tpu.memory_space<vmem>>, vector<512x64xf32>,
    } else {
    }
    return
  }
  func.func @transform_0(%arg0: i32) -> (i32, i32) {
    %c0_i32 = arith.constant 0 : i32
    %c0_i32_0 = arith.constant 0 : i32
    return %arg0, %c0_i32 : i32, i32
  }
  func.func @transform_1(%arg0: i32) -> (i32, i32) {
    %c0_i32 = arith.constant 0 : i32
    %c0_i32_0 = arith.constant 0 : i32
    return %arg0, %c0_i32 : i32, i32
  }
  func.func @transform_2(%arg0: i32) -> (i32, i32) {
    %c0_i32 = arith.constant 0 : i32
    %c0_i32_0 = arith.constant 0 : i32
    return %arg0, %c0_i32 : i32, i32
  }
  func.func @transform_3(%arg0: i32) -> (i32, i32) {
    %c0_i32 = arith.constant 0 : i32
    %c0_i32_0 = arith.constant 0 : i32
    %c0_i32_1 = arith.constant 0 : i32
    return %c0_i32, %c0_i32_0 : i32, i32
  }
  func.func @transform_4(%arg0: i32) -> (i32, i32) {
    %c0_i32 = arith.constant 0 : i32
    %c0_i32_0 = arith.constant 0 : i32
    %c0_i32_1 = arith.constant 0 : i32
    return %c0_i32, %c0_i32_0 : i32, i32
  }
  func.func @transform_5(%arg0: i32) -> (i32, i32) {
    %c0_i32 = arith.constant 0 : i32
    %c0_i32_0 = arith.constant 0 : i32
    return %arg0, %c0_i32 : i32, i32
  }
  func.func @transform_6(%arg0: i32) -> (i32, i32) {
    %c0_i32 = arith.constant 0 : i32
    %c0_i32_0 = arith.constant 0 : i32
    %c0_i32_1 = arith.constant 0 : i32
    return %c0_i32, %c0_i32_0 : i32, i32
  }
  func.func @transform_7(%arg0: i32) -> (i32, i32) {
    %c0_i32 = arith.constant 0 : i32
    %c0_i32_0 = arith.constant 0 : i32
    %c0_i32_1 = arith.constant 0 : i32
    return %c0_i32, %c0_i32_0 : i32, i32
  }
  func.func @transform_8(%arg0: i32) -> (i32, i32) {
    %c0_i32 = arith.constant 0 : i32
    %c0_i32_0 = arith.constant 0 : i32
    %c0_i32_1 = arith.constant 0 : i32
    return %c0_i32, %c0_i32_0 : i32, i32
  }
}

</mosaic_0001>

<sc_bundles>
// kernel: kernel.10.cloned.1.call-start
scs
__scs_entry_jumppad:
0x0: {  	(pc) =	sbr.rel $0x88, $3  }
0x1: {  	(tag) =	ssettag $0x0;
	lr =	simm.s32 $0x1  }
0x2: {  	[smem:$0x3F98] =	sst lr;
	_ =	strace $0xD0000000  }
0x3: {  	_ = 	snop  }
0x4: {  	_ = 	snop  }
0x5: {  	_ = 	snop  }
0x6: {  	_ = 	snop  }
0x7: {  	_ = 	snop  }
__scs_overlays_trampoline_lowered:
0x8: {  	[smem:$0x3FA7] =	sst s0  }
0x9: {  	[smem:$0x3FA8] =	sst s1  }
0xa: {  	[smem:$0x3FA9] =	sst s2  }
0xb: {  	[smem:$0x3FAA] =	sst s3  }
0xc: {  	[smem:$0x3FAB] =	sst s4  }
0xd: {  	[smem:$0x3FAC] =	sst s5  }
0xe: {  	[smem:$0x3FAD] =	sst s6  }
0xf: {  	[smem:$0x3FAE] =	sst s7  }
0x10: {  	[smem:$0x3FAF] =	sst s8  }
0x11: {  	[smem:$0x3FB0] =	sst s9;
	s0 =	simm.s32 @!p0 $0x0  }
0x12: {  	s1 =	sld [smem:$0x3F96];
	s0 =	simm.s32 @p0 $0x1  }
0x13: {  	[smem:$0x3FB1] =	sst s0;
	s0 =	simm.s32 @!p1 $0x0  }
0x14: {  	s2 =	sld [smem:$0x3F95];
	s0 =	simm.s32 @p1 $0x1  }
0x15: {  	[smem:$0x3FB2] =	sst s0;
	s0 =	simm.s32 @!p2 $0x0  }
0x16: {  	s3 =	sld [smem:$0x3FDB];
	s0 =	simm.s32 @p2 $0x1  }
0x17: {  	s4 =	simm.s32 $0x1BF5;
	[smem:$0x3FB4] =	sst s0  }
0x18: {  	s0 =	sld [smem:$0x3F97];
	_ =	swait.ge [sflag:s4], $0x0  }
0x19: {  	s7 =	sld [smem:$0x3F98]  }
0x1a: {  	s8 =	sadd.s32 $0xFFFFE003, lr  }
0x1b: {  	s9 =	sadd.s32 $0xFFFFFEF7, lr;
	s5 =	simm.s32 $0xFFFFFFFF;
	p2 =	slt.u32 s8, $0xFFFFF086  }
0x1c: {  	p1 =	slt.u32 s9, $0xF7A;
	s5 =	simm.s32 @!p2 $0x0  }
0x1d: {  	s5 =	simm.s32 @p1 $0x1;
	p0 =	seq.s32 s7, s2  }
0x1e: {  	s7 =	smul.u32 @!p0 $0xF7A, s2;
	p2 =	seq.s32 @!p0 s5, $0x0  }
0x1f: {  	s9 =	smul.u32 $0xF7A, s1;
	s8 =	simm.s32 @!p0 $0x1BF5;
	p2 =	por !p2, p0  }
0x20: {  	[sflag:s8] =	ssyncset.s32 @!p0 $0xFFFFF086;
	s6 =	sadd.s32 @!p0 s3, s7;
	s7 =	simm.s32 @!p0 $0x108  }
0x21: {  	s3 =	sadd.s32 s3, s9;
	s6 =	sadd.s32 @!p0 $0x88, s6;
	s7 =	simm.s32 @p2 $0x1082  }
0x22: {  	[simem:s7], [sflag:s8] =	dma.local @!p0 [hbm:s6], $0xF7A  }
0x23: {  	s9 =	sor.u32 $0xD0000000, s2;
	s6 =	simm.s32 $0x108;
	_ =	swait.ge @!p0 [sflag:s8], $0x0  }
0x24: {  	s3 =	sadd.s32 $0x88, s3;
	s6 =	simm.s32 @!p1 $0x1082;
	[sflag:s4] =	ssyncset.s32 $0xFFFFF086  }
0x25: {  	[simem:s6], [sflag:s4] =	dma.local [hbm:s3], $0xF7A  }
0x26: {  	[smem:$0x3F98] =	sst s1;
	(tag) =	ssettag s2;
	_ =	strace s9  }
0x27: {  	s1 =	sld [smem:$0x3FA8]  }
0x28: {  	s2 =	sld [smem:$0x3FA9]  }
0x29: {  	s4 =	sld [smem:$0x3FAB]  }
0x2a: {  	p0 =	seq.s32 s5, $0x0;
	s5 =	sld [smem:$0x3FAC]  }
0x2b: {  	s6 =	sld [smem:$0x3FAD]  }
0x2c: {  	s7 =	sld [smem:$0x3FAE]  }
0x2d: {  	s3 =	simm.s32 $0x108;
	s8 =	sld [smem:$0x3FAF]  }
0x2e: {  	s3 =	simm.s32 @!p0 $0x1082;
	s9 =	sld [smem:$0x3FB0]  }
0x2f: {  	lr =	sadd.s32 s0, s3;
	s0 =	sld [smem:$0x3FA7]  }
0x30: {  	s3 =	sld [smem:$0x3FAA]  }
0x31: {  	[smem:$0x3FB3] =	sst s10  }
0x32: {  	s10 =	sld [smem:$0x3FB1];
	_ =	sdelay $0x3  }
0x33: {  	p0 =	seq.s32 s10, $0x1;
	s10 =	sld [smem:$0x3FB3];
	_ =	sdelay $0x3  }
0x34: {  	[smem:$0x3FB3] =	sst s10  }
0x35: {  	s10 =	sld [smem:$0x3FB2];
	_ =	sdelay $0x3  }
0x36: {  	p1 =	seq.s32 s10, $0x1;
	s10 =	sld [smem:$0x3FB3];
	_ =	sdelay $0x3  }
0x37: {  	[smem:$0x3FB3] =	sst s10  }
0x38: {  	s10 =	sld [smem:$0x3FB4]  }
0x39: {  	_ = 	snop;
	(pc) =	sbr.ind lr, $3  }
0x3a: {  	_ = 	snop  }
0x3b: {  	_ = 	snop  }
0x3c: {  	p2 =	seq.s32 s10, $0x1;
	s10 =	sld [smem:$0x3FB3]  }
0x3d: {  	_ =	shalt  }
0x3e: {  	_ =	shalt  }
0x3f: {  	_ =	shalt  }
0x40: {  	_ =	shalt  }
0x41: {  	_ =	shalt  }
0x42: {  	_ =	shalt  }
0x43: {  	_ =	shalt  }
0x44: {  	_ =	shalt  }
0x45: {  	_ =	shalt  }
0x46: {  	_ =	shalt  }
0x47: {  	_ =	shalt  }
0x48: {  	_ =	shalt  }
0x49: {  	_ =	shalt  }
0x4a: {  	_ =	shalt  }
0x4b: {  	_ =	shalt  }
0x4c: {  	_ =	shalt  }
0x4d: {  	_ =	shalt  }
0x4e: {  	_ =	shalt  }
0x4f: {  	_ =	shalt  }
0x50: {  	_ =	shalt  }
0x51: {  	_ =	shalt  }
0x52: {  	_ =	shalt  }
0x53: {  	_ =	shalt  }
0x54: {  	_ =	shalt  }
0x55: {  	_ =	shalt  }
0x56: {  	_ =	shalt  }
0x57: {  	_ =	shalt  }
0x58: {  	_ =	shalt  }
0x59: {  	_ =	shalt  }
0x5a: {  	_ =	shalt  }
0x5b: {  	_ =	shalt  }
0x5c: {  	_ =	shalt  }
0x5d: {  	_ =	shalt  }
0x5e: {  	_ =	shalt  }
0x5f: {  	_ =	shalt  }
0x60: {  	_ =	shalt  }
0x61: {  	_ =	shalt  }
0x62: {  	_ =	shalt  }
0x63: {  	_ =	shalt  }
0x64: {  	_ =	shalt  }
0x65: {  	_ =	shalt  }
0x66: {  	_ =	shalt  }
0x67: {  	_ =	shalt  }
0x68: {  	_ =	shalt  }
0x69: {  	_ =	shalt  }
0x6a: {  	_ =	shalt  }
0x6b: {  	_ =	shalt  }
0x6c: {  	_ =	shalt  }
0x6d: {  	_ =	shalt  }
0x6e: {  	_ =	shalt  }
0x6f: {  	_ =	shalt  }
0x70: {  	_ =	shalt  }
0x71: {  	_ =	shalt  }
0x72: {  	_ =	shalt  }
0x73: {  	_ =	shalt  }
0x74: {  	_ =	shalt  }
0x75: {  	_ =	shalt  }
0x76: {  	_ =	shalt  }
0x77: {  	_ =	shalt  }
0x78: {  	_ =	shalt  }
0x79: {  	_ =	shalt  }
0x7a: {  	_ =	shalt  }
0x7b: {  	_ =	shalt  }
0x7c: {  	_ =	shalt  }
0x7d: {  	_ =	shalt  }
0x7e: {  	_ =	shalt  }
0x7f: {  	_ =	shalt  }
0x80: {  	_ =	shalt  }
0x81: {  	_ =	shalt  }
0x82: {  	_ =	shalt  }
0x83: {  	_ =	shalt  }
0x84: {  	_ =	shalt  }
0x85: {  	_ =	shalt  }
0x86: {  	_ =	shalt  }
0x87: {  	_ =	shalt  }
.Lfunc_end0:
.L_simem_size_0:
called_computation.1_lowered:
.L_overlay_start_0:
0x88: {  	s2 =	sld [smem:$0x3FD9]  }
0x89: {  	s3 =	sld [smem:$0x3FFE];
	_ =	sdelay $0x1  }
0x8a: {  	s1 =	srdreg.scid  }
0x8b: {  	s0 =	sand.u32 $0x1, s1  }
0x8c: {  	s16 =	sshll.u32 s0, $0xA;
	s2 =	sadd.s32 s3, s2  }
0x8d: {  	s2 =	sadd.s32 s2, s16  }
0x8e: {  	[smem:$0x3FBF] =	sst s2  }
0x8f: {  	_ = 	snop  }
0x90: {  	(tm) =	ssettm $0x1  }
0x91: {  	s17 =	sld [smem:$0x3FFB];
	_ =	sdelay $0x3  }
0x92: {  	_ =	strace s17  }
0x93: {  	s2 =	sld [smem:$0x3FFC];
	_ =	sdelay $0x3  }
0x94: {  	_ =	strace s2  }
0x95: {  	s2 =	sld [smem:$0x3FFD];
	_ =	sdelay $0x3  }
0x96: {  	_ =	strace s2  }
0x97: {  	_ =	strace $0x8FFFFFFF  }
0x98: {  	s18 =	sld [smem:$0x3FDB];
	_ =	sdelay $0x1  }
0x99: {  	s19 =	simm.s32 $_scs_section_size  }
0x9a: {  	s4 =	simm.s32 $_size__tile_overlayer_lowered;
	s5 =	simm.s32 $_tile_overlayer_lowered  }
0x9b: {  	s22 =	simm.s32 $0x1BFF;
	s21 =	sshll.u32 s5, $0x1;
	s2 =	sadd.s32 s19, s18  }
0x9c: {  	s6 =	simm.s32 $0x0;
	s20 =	sshll.u32 s4, $0x1;
	s4 =	sadd.s32 s21, s2  }
0x9d: {  	[timem:s6], [sflag:s22] =	dma.local [hbm:s4], s20  }
0x9e: {  	_ =	swait.ge [sflag:s22], s20  }
0x9f: {  	s3 =	ssub.s32 $0x0, s20;
	[sflag:s22] =	ssyncset.done $0x0  }
0xa0: {  	[sflag:s22] =	ssyncadd.s32 s3;
	_ =	sdelay $0x1  }
0xa1: {  	s23 =	simm.s32 $0x1B8B  }
0xa2: {  	_ =	swait.ge [sflag:s23], $0x1  }
0xa3: {  	[sflag:s23] =	ssyncset.done $0x0  }
0xa4: {  	s25 =	simm.s32 $0x1B8E;
	s24 =	sld [smem:$0x3FFE];
	[sflag:s23] =	ssyncadd.s32 $0xFFFFFFFF  }
0xa5: {  	s26 =	simm.s32 $execute0_lowered;
	[smem:$0x3FD2] =	sst s25  }
0xa6: {  	s4 =	sshll.u32 s26, $0x1;
	_ =	strace $0x80000049;
	[dreg:$0x1] =	wrdreg $0xFFFFFFFF  }
0xa7: {  	s28 =	simm.s32 $_size_execute0_lowered;
	s2 =	sadd.s32 s2, s4;
	[dreg:$0x0] =	wrdreg $0x0  }
0xa8: {  	s4 =	sshll.u32 s28, $0x1;
	[dreg:$0x2] =	wrdreg s2  }
0xa9: {  	[dreg:$0x3] =	wrdreg s4  }
0xaa: {  	[dreg:$0x4] =	wrdreg $0xC0  }
0xab: {  	_ =	task [dreg:s6], $0x5FFFF  }
0xac: {  	[dreg:$0x1] =	wrdreg $0xFFFFFFFF  }
0xad: {  	[dreg:$0x0] =	wrdreg $0x60  }
0xae: {  	[dreg:$0x2] =	wrdreg s24  }
0xaf: {  	[dreg:$0x3] =	wrdreg $0xA8000  }
0xb0: {  	[dreg:$0x4] =	wrdreg $0x9  }
0xb1: {  	_ =	task.clear_ibuf [dreg:s6], $0x5FFFF;
	_ =	strace $0x90000049  }
0xb2: {  	s29 =	simm.s32 $0x9;
	_ =	strace $0x8000004B  }
0xb3: {  	_ =	swait.ge [sflag:s29], $0x1  }
0xb4: {  	[sflag:s29] =	ssyncadd.s32 $0xFFFFFFFF  }
0xb5: {  	_ =	strace $0x9000004B  }
0xb6: {  	_ =	sfence  }
0xb7: {  	s30 =	sld [smem:$0x0];
	_ =	sdelay $0x2  }
0xb8: {  	s31 =	sshll.u32 s1, $0xD;
	s1 =	sshrl.u32 s1, $0x2  }
0xb9: {  	s3 =	sand.u32 $0x4000, s31;
	s1 =	sadd.s32 s1, s30  }
0xba: {  	s0 =	sor.u32 s3, s0;
	s1 =	sshll.u32 s1, $0x11  }
0xbb: {  	s0 =	sor.u32 s1, s0  }
0xbc: {  	s0 =	sadd.s32 $0x8F2B, s0  }
0xbd: {  	[sflag:s0] =	ssyncadd.remote.s32 $0x1  }
0xbe: {  	_ =	sfence.sel $0xFFFF  }
0xbf: {  	[dreg:$0x0] =	wrdreg $0xFFFFFFFF;
	(pc) =	sbr.abs _section_cstart, $3  }
0xc0: {  	[dreg:$0x1] =	wrdreg $0xFFFFFFFF  }
0xc1: {  	_ =	task.clear_ibuf [dreg:s6], $0x2FFFF;
	_ =	strace $0x9FFFFFFF  }
0xc2: {  	(tm) =	ssettm $0x7FFFFFFF  }
0xc3: {  	_ =	shalt  }
tec
execute0_lowered:
.L_overlay_start_1:
0x0: {  	(tag) =	ssettag $0x1  }
0x1: {  	s7 =	rddreg [dreg:$0x0]  }
0x2: {  	s2 =	rddreg [dreg:$0x1];
	s3 =	simm.s32 $0x0  }
0x3: {  	s1 =	stileid.u32;
	s6 =	srdreg.scid;
	s20 =	simm.s32 $0x2  }
0x4: {  	s21 =	simm.s32 $0x2780;
	s22 =	simm.s32 $0x6800;
	s23 =	simm.s32 $0x0  }
0x5: {  	[smem:$0x7FF] =	sst s3;
	s10 =	smul.u32 $0x13800, s1;
	s4 =	sadd.s32 $0x16000, s7  }
0x6: {  	s11 =	sadd.s32 $0x2000, s7;
	s12 =	sadd.s32 $0xC000, s7;
	s8 =	sand.u32 $0x1, s6  }
0x7: {  	s29 =	smul.u32 $0x4E000, s1;
	s13 =	sadd.s32 $0x64400, s7;
	s14 =	sshll.u32 s1, $0x1  }
0x8: {  	s31 =	sshll.u32 s1, $0x6;
	s17 =	sadd.s32 $0x138000, s2;
	p0 =	sne.s32 s1, $0xF  }
0x9: {  	_ =	strace $0x8000004A;
	s9 =	ssub.s32 $0x2, s8;
	s14 =	sor.u32 s8, s14  }
0xa: {  	s18 =	smul.u32 $0x138800, s8;
	s17 =	sshrl.u32 @!p0 s17, $0x3;
	s5 =	sshrl.u32 s10, $0x3  }
0xb: {  	s15 =	sshrl.u32 s9, $0x1;
	s6 =	sshrl.u32 s29, $0x2;
	s30 =	smul.u32 $0x500, s14  }
0xc: {  	s14 =	smul.u32 $0x2800, s14;
	s5 =	sadd.s32 s5, s7;
	s15 =	ssub.s32 s9, s15  }
0xd: {  	s16 =	sadd.s32 s6, s2;
	s6 =	sor.u32 $0x1C03, s31;
	s7 =	sadd.s32 $0x64200, s7  }
0xe: {  	s19 =	sadd.s32 s10, s18;
	s18 =	sshrl.u32 s18, $0x3;
	s14 =	sshrl.u32 s14, $0x3  }
0xf: {  	s5 =	sadd.s32 $0x3D200, s5;
	s8 =	sadd.s32 s11, s30;
	s14 =	sadd.s32 $0x280, s14  }
0x10: {  	s9 =	sadd.s32 s12, s30;
	s19 =	sshrl.u32 s19, $0x3;
	s10 =	sadd.s32 s11, s14  }
0x11: {  	s11 =	sadd.s32 s12, s14;
	s12 =	sadd.s32 s13, s19;
	s13 =	sadd.s32 s13, s18  }
0x12: {  	s14 =	smax.u32 s15, $0x1;
	s15 =	sshrl.u32 s16, $0x3;
	s16 =	simm.s32 $0x3  }
0x13: {  	s18 =	simm.s32 $0x7D;
	s19 =	simm.s32 $0x2800;
	s13 =	sadd.s32 $0x27000, s13  }
.LBB2_1:
0x14: {  	[spmem:s15], [sflag:s6] =	dma.local [hbm:s5], $0x2700  }
0x15: {  	_ =	swait.ge [sflag:s16], $0x2700  }
0x16: {  	[sflag:s16] =	ssyncset.done $0x0  }
0x17: {  	s24 =	simm.s32 @!p0 $0x3;
	[sflag:s16] =	ssyncadd.s32 $0xFFFFD900  }
0x18: {  	[spmem:s17], [sflag:s6] =	dma.local @!p0 [hbm:s7], $0x100  }
0x19: {  	_ =	swait.ge @!p0 [sflag:s24], $0x100  }
0x1a: {  	[sflag:s24] =	ssyncset.done @!p0 $0x0  }
0x1b: {  	[sflag:s24] =	ssyncadd.s32 @!p0 $0xFFFFFF00  }
0x1c: {  	[bflag:$0x0] =	sbarrier.arrive $0xFFFF  }
0x1d: {  	[tilespmem:s3], [sflag:$0x3] =	stream.linear.gather [hbm4b:s8+s3], $0x1400, $0x38;
	[tilespmem:$0x1E080] =	vst v63  }
0x1e: {  	_ =	swait.ge [sflag:s16], $0x1400  }
0x1f: {  	[sflag:s16] =	ssyncset.done $0x0  }
0x20: {  	s24 =	simm.s32 $0x1400;
	[sflag:s16] =	ssyncadd.s32 $0xFFFFEC00  }
0x21: {  	[tilespmem:s24], [sflag:$0x3] =	stream.linear.gather [hbm4b:s9+s3], $0x1400, $0x38;
	[tilespmem:$0x1E080] =	vst v63  }
0x22: {  	s25 =	sand.u32 $0x1, s3;
	_ =	swait.ge [sflag:s16], $0x1400  }
0x23: {  	p1 =	seq.s32 s25, $0x1;
	[sflag:s16] =	ssyncset.done $0x0  }
0x24: {  	s25 =	simm.s32 @p1 $0x2;
	[sflag:s16] =	ssyncadd.s32 $0xFFFFEC00  }
0x25: {  	[tilespmem:s19], [sflag:$0x1] =	stream.indirect.gather [hbm4b:s4+s18], $0x80, s3, s18, $0xb8;
	[tilespmem:$0x1E080] =	vst v63  }
0x26: {  	_ =	swait.ge @p1 [sflag:s25], $0x3E80  }
0x27: {  	s28 =	simm.s32 $0x80;
	[sflag:s25] =	ssyncset.done @p1 $0x0  }
0x28: {  	s26 =	simm.s32 @p1 $0x2800;
	[sflag:s25] =	ssyncadd.s32 @p1 $0xFFFFC180;
	s25 =	simm.s32 @p1 $0x7D  }
0x29: {  	[tilespmem:s26], [sflag:$0x1] =	stream.indirect.gather @p1 [hbm4b:s4+s25], $0x80, s28, s25, $0xb8;
	[tilespmem:$0x1E080] =	vst v63  }
0x2a: {  	s29 =	simm.s32 @!p1 $0x1;
	s26 =	simm.s32 @p1 $0x6800  }
0x2b: {  	[spmem:s2] =	stream.indirect.scatter.add.f32 @p1 [tilespmem:s26], [sflag:$0x3], $0x80, s24, s25, $0xb8;
	[tilespmem:$0x1E080] =	vst v63  }
0x2c: {  	_ =	swait.ge @!p1 [sflag:s29], $0x3E80  }
0x2d: {  	s26 =	simm.s32 @!p1 $0x4;
	[sflag:s29] =	ssyncset.done @!p1 $0x0  }
0x2e: {  	s25 =	simm.s32 @!p1 $0x7D;
	[sflag:s29] =	ssyncadd.s32 @!p1 $0xFFFFC180;
	s29 =	simm.s32 @!p1 $0x6800  }
0x2f: {  	[tilespmem:s29], [sflag:$0x2] =	stream.indirect.gather @!p1 [hbm4b:s4+s25], $0x80, s28, s25, $0xb8;
	[tilespmem:$0x1E080] =	vst v63  }
0x30: {  	s26 =	simm.s32 @p1 $0x3;
	s29 =	simm.s32 $0x1;
	s28 =	simm.s32 @!p1 $0x2800  }
0x31: {  	[spmem:s2] =	stream.indirect.scatter.add.f32 @!p1 [tilespmem:s28], [sflag:$0x4], $0x80, s24, s25, $0xb8;
	[tilespmem:$0x1E080] =	vst v63  }
0x32: {  	s29 =	sand.u32 $0x1, s29;
	s28 =	simm.s32 $0x2;
	_ =	swait.ge [sflag:s26], $0x3E80  }
0x33: {  	s24 =	simm.s32 $0x100;
	s25 =	simm.s32 $0x1480;
	[sflag:s26] =	ssyncset.done $0x0  }
.LBB2_2:
0x34: {  	p2 =	seq.s32 s29, $0x1  }
0x35: {  	[sflag:s26] =	ssyncadd.s32 $0xFFFFC180;
	s29 =	smov.u32 s28;
	s28 =	sadd.s32 $0x1, s28  }
0x36: {  	p1 =	sne.s32 s28, $0x27;
	s30 =	simm.s32 @p2 $0x2;
	s26 =	simm.s32 @!p2 $0x4  }
0x37: {  	_ =	swait.ge @p2 [sflag:s30], $0x3E80  }
0x38: {  	[sflag:s30] =	ssyncset.done @p2 $0x0  }
0x39: {  	s31 =	simm.s32 @p2 $0x2800;
	[sflag:s30] =	ssyncadd.s32 @p2 $0xFFFFC180;
	s30 =	simm.s32 @p2 $0x7D  }
0x3a: {  	[tilespmem:s31], [sflag:$0x1] =	stream.indirect.gather @p2 [hbm4b:s4+s30], $0x80, s24, s30, $0xb8;
	[tilespmem:$0x1E080] =	vst v63  }
0x3b: {  	s0 =	simm.s32 @!p2 $0x1;
	s31 =	simm.s32 @p2 $0x6800  }
0x3c: {  	[spmem:s2] =	stream.indirect.scatter.add.f32 @p2 [tilespmem:s31], [sflag:$0x3], $0x80, s25, s30, $0xb8;
	[tilespmem:$0x1E080] =	vst v63  }
0x3d: {  	_ =	swait.ge @!p2 [sflag:s0], $0x3E80  }
0x3e: {  	[sflag:s0] =	ssyncset.done @!p2 $0x0  }
0x3f: {  	s30 =	simm.s32 @!p2 $0x6800;
	[sflag:s0] =	ssyncadd.s32 @!p2 $0xFFFFC180;
	s0 =	simm.s32 @!p2 $0x7D  }
0x40: {  	[tilespmem:s30], [sflag:$0x2] =	stream.indirect.gather @!p2 [hbm4b:s4+s0], $0x80, s24, s0, $0xb8;
	[tilespmem:$0x1E080] =	vst v63  }
.Ltmp0:
0x41: {  	_ = 	snop;
	(pc) =	sbr.rel @p1 .LBB2_2-.Ltmp0, $4  }
0x42: {  	s26 =	simm.s32 @p2 $0x3;
	s30 =	simm.s32 @!p2 $0x2800  }
0x43: {  	[spmem:s2] =	stream.indirect.scatter.add.f32 @!p2 [tilespmem:s30], [sflag:$0x4], $0x80, s25, s0, $0xb8;
	[tilespmem:$0x1E080] =	vst v63  }
0x44: {  	s24 =	sadd.s32 $0x80, s24;
	_ =	swait.ge [sflag:s26], $0x3E80  }
0x45: {  	s29 =	sand.u32 $0x1, s29;
	s25 =	sadd.s32 $0x80, s25;
	[sflag:s26] =	ssyncset.done $0x0  }
0x46: {  	p1 =	seq.s32 s29, $0x1  }
0x47: {  	[sflag:s26] =	ssyncadd.s32 $0xFFFFC180;
	s0 =	simm.s32 @p1 $0x2  }
0x48: {  	_ =	swait.ge @p1 [sflag:s0], $0x3E80  }
0x49: {  	[sflag:s0] =	ssyncset.done @p1 $0x0  }
0x4a: {  	s26 =	simm.s32 @p1 $0x2800;
	[sflag:s0] =	ssyncadd.s32 @p1 $0xFFFFC180;
	s0 =	simm.s32 @p1 $0x7D  }
0x4b: {  	[tilespmem:s26], [sflag:$0x1] =	stream.indirect.gather @p1 [hbm4b:s4+s0], $0x80, s24, s0, $0xb8;
	[tilespmem:$0x1E080] =	vst v63  }
0x4c: {  	s28 =	simm.s32 @!p1 $0x1;
	s26 =	simm.s32 @p1 $0x6800  }
0x4d: {  	[spmem:s2] =	stream.indirect.scatter.add.f32 @p1 [tilespmem:s26], [sflag:$0x3], $0x80, s25, s0, $0xb8;
	[tilespmem:$0x1E080] =	vst v63  }
0x4e: {  	_ =	swait.ge @!p1 [sflag:s28], $0x3E80  }
0x4f: {  	s0 =	simm.s32 @!p1 $0x4;
	[sflag:s28] =	ssyncset.done @!p1 $0x0  }
0x50: {  	s26 =	simm.s32 @!p1 $0x7D;
	[sflag:s28] =	ssyncadd.s32 @!p1 $0xFFFFC180;
	s28 =	simm.s32 @!p1 $0x6800  }
0x51: {  	[tilespmem:s28], [sflag:$0x2] =	stream.indirect.gather @!p1 [hbm4b:s4+s26], $0x80, s24, s26, $0xb8;
	[tilespmem:$0x1E080] =	vst v63  }
0x52: {  	s0 =	simm.s32 @p1 $0x3;
	s24 =	simm.s32 @!p1 $0x2800  }
0x53: {  	[spmem:s2] =	stream.indirect.scatter.add.f32 @!p1 [tilespmem:s24], [sflag:$0x4], $0x80, s25, s26, $0xb8;
	[tilespmem:$0x1E080] =	vst v63  }
0x54: {  	_ =	swait.ge [sflag:s0], $0x3E80  }
0x55: {  	[sflag:s0] =	ssyncset.done $0x0  }
0x56: {  	[sflag:s0] =	ssyncadd.s32 $0xFFFFC180  }
0x57: {  	_ =	swait.ge [sflag:s20], $0x3E80  }
0x58: {  	[sflag:s20] =	ssyncset.done $0x0  }
0x59: {  	[sflag:s20] =	ssyncadd.s32 $0xFFFFC180  }
0x5a: {  	[spmem:s2] =	stream.indirect.scatter.add.f32 [tilespmem:s22], [sflag:$0x3], $0x80, s21, s18, $0xb8;
	[tilespmem:$0x1E080] =	vst v63  }
0x5b: {  	_ =	swait.ge [sflag:s16], $0x3E80  }
0x5c: {  	[sflag:s16] =	ssyncset.done $0x0  }
0x5d: {  	s30 =	simm.s32 $0x0;
	[sflag:s16] =	ssyncadd.s32 $0xFFFFC180  }
0x5e: {  	[tilespmem:s30], [sflag:$0x3] =	stream.linear.gather [hbm4b:s10+s30], $0x1400, $0x38;
	[tilespmem:$0x1E080] =	vst v63  }
0x5f: {  	_ =	swait.ge [sflag:s16], $0x1400  }
0x60: {  	[sflag:s16] =	ssyncset.done $0x0  }
0x61: {  	s24 =	simm.s32 $0x1400;
	[sflag:s16] =	ssyncadd.s32 $0xFFFFEC00  }
0x62: {  	[tilespmem:s24], [sflag:$0x3] =	stream.linear.gather [hbm4b:s11+s30], $0x1400, $0x38;
	[tilespmem:$0x1E080] =	vst v63  }
0x63: {  	s0 =	sand.u32 $0x1, s30;
	_ =	swait.ge [sflag:s16], $0x1400  }
0x64: {  	p1 =	seq.s32 s0, $0x1;
	[sflag:s16] =	ssyncset.done $0x0  }
0x65: {  	s0 =	simm.s32 @p1 $0x2;
	[sflag:s16] =	ssyncadd.s32 $0xFFFFEC00  }
0x66: {  	[tilespmem:s19], [sflag:$0x1] =	stream.indirect.gather [hbm4b:s4+s18], $0x80, s30, s18, $0xb8;
	[tilespmem:$0x1E080] =	vst v63  }
0x67: {  	_ =	swait.ge @p1 [sflag:s0], $0x3E80  }
0x68: {  	s25 =	simm.s32 $0x80;
	[sflag:s0] =	ssyncset.done @p1 $0x0  }
0x69: {  	s26 =	simm.s32 @p1 $0x2800;
	[sflag:s0] =	ssyncadd.s32 @p1 $0xFFFFC180;
	s0 =	simm.s32 @p1 $0x7D  }
0x6a: {  	[tilespmem:s26], [sflag:$0x1] =	stream.indirect.gather @p1 [hbm4b:s4+s0], $0x80, s25, s0, $0xb8;
	[tilespmem:$0x1E080] =	vst v63  }
0x6b: {  	s28 =	simm.s32 @!p1 $0x1;
	s26 =	simm.s32 @p1 $0x6800  }
0x6c: {  	[spmem:s2] =	stream.indirect.scatter.add.f32 @p1 [tilespmem:s26], [sflag:$0x3], $0x80, s24, s0, $0xb8;
	[tilespmem:$0x1E080] =	vst v63  }
0x6d: {  	_ =	swait.ge @!p1 [sflag:s28], $0x3E80  }
0x6e: {  	s26 =	simm.s32 @!p1 $0x4;
	[sflag:s28] =	ssyncset.done @!p1 $0x0  }
0x6f: {  	s0 =	simm.s32 @!p1 $0x7D;
	[sflag:s28] =	ssyncadd.s32 @!p1 $0xFFFFC180;
	s28 =	simm.s32 @!p1 $0x6800  }
0x70: {  	[tilespmem:s28], [sflag:$0x2] =	stream.indirect.gather @!p1 [hbm4b:s4+s0], $0x80, s25, s0, $0xb8;
	[tilespmem:$0x1E080] =	vst v63  }
0x71: {  	s31 =	simm.s32 $0x1;
	s26 =	simm.s32 @p1 $0x3;
	s28 =	simm.s32 @!p1 $0x2800  }
0x72: {  	[spmem:s2] =	stream.indirect.scatter.add.f32 @!p1 [tilespmem:s28], [sflag:$0x4], $0x80, s24, s0, $0xb8;
	[tilespmem:$0x1E080] =	vst v63  }
0x73: {  	s29 =	sand.u32 $0x1, s31;
	s25 =	simm.s32 $0x1480;
	_ =	swait.ge [sflag:s26], $0x3E80  }
0x74: {  	s28 =	simm.s32 $0x2;
	s24 =	simm.s32 $0x100;
	[sflag:s26] =	ssyncset.done $0x0  }
.LBB2_4:
0x75: {  	p2 =	seq.s32 s29, $0x1  }
0x76: {  	[sflag:s26] =	ssyncadd.s32 $0xFFFFC180;
	s0 =	smov.u32 s28;
	s28 =	sadd.s32 $0x1, s28  }
0x77: {  	p1 =	sne.s32 s28, $0x27;
	s29 =	simm.s32 @p2 $0x2;
	s26 =	simm.s32 @!p2 $0x4  }
0x78: {  	_ =	swait.ge @p2 [sflag:s29], $0x3E80  }
0x79: {  	[sflag:s29] =	ssyncset.done @p2 $0x0  }
0x7a: {  	s30 =	simm.s32 @p2 $0x2800;
	[sflag:s29] =	ssyncadd.s32 @p2 $0xFFFFC180;
	s29 =	simm.s32 @p2 $0x7D  }
0x7b: {  	[tilespmem:s30], [sflag:$0x1] =	stream.indirect.gather @p2 [hbm4b:s4+s29], $0x80, s24, s29, $0xb8;
	[tilespmem:$0x1E080] =	vst v63  }
0x7c: {  	s31 =	simm.s32 @!p2 $0x1;
	s30 =	simm.s32 @p2 $0x6800  }
0x7d: {  	[spmem:s2] =	stream.indirect.scatter.add.f32 @p2 [tilespmem:s30], [sflag:$0x3], $0x80, s25, s29, $0xb8;
	[tilespmem:$0x1E080] =	vst v63  }
0x7e: {  	_ =	swait.ge @!p2 [sflag:s31], $0x3E80  }
0x7f: {  	[sflag:s31] =	ssyncset.done @!p2 $0x0  }
0x80: {  	s29 =	simm.s32 @!p2 $0x7D;
	s30 =	simm.s32 @!p2 $0x6800;
	[sflag:s31] =	ssyncadd.s32 @!p2 $0xFFFFC180  }
0x81: {  	[tilespmem:s30], [sflag:$0x2] =	stream.indirect.gather @!p2 [hbm4b:s4+s29], $0x80, s24, s29, $0xb8;
	[tilespmem:$0x1E080] =	vst v63  }
.Ltmp1:
0x82: {  	_ = 	snop;
	(pc) =	sbr.rel @p1 .LBB2_4-.Ltmp1, $4  }
0x83: {  	s26 =	simm.s32 @p2 $0x3;
	s30 =	simm.s32 @!p2 $0x2800  }
0x84: {  	[spmem:s2] =	stream.indirect.scatter.add.f32 @!p2 [tilespmem:s30], [sflag:$0x4], $0x80, s25, s29, $0xb8;
	[tilespmem:$0x1E080] =	vst v63  }
0x85: {  	s24 =	sadd.s32 $0x80, s24;
	_ =	swait.ge [sflag:s26], $0x3E80  }
0x86: {  	s29 =	sand.u32 $0x1, s0;
	s25 =	sadd.s32 $0x80, s25;
	[sflag:s26] =	ssyncset.done $0x0  }
0x87: {  	p1 =	seq.s32 s29, $0x1  }
0x88: {  	[sflag:s26] =	ssyncadd.s32 $0xFFFFC180;
	s0 =	simm.s32 @p1 $0x2  }
0x89: {  	_ =	swait.ge @p1 [sflag:s0], $0x3E80  }
0x8a: {  	[sflag:s0] =	ssyncset.done @p1 $0x0  }
0x8b: {  	s26 =	simm.s32 @p1 $0x2800;
	[sflag:s0] =	ssyncadd.s32 @p1 $0xFFFFC180;
	s0 =	simm.s32 @p1 $0x7D  }
0x8c: {  	[tilespmem:s26], [sflag:$0x1] =	stream.indirect.gather @p1 [hbm4b:s4+s0], $0x80, s24, s0, $0xb8;
	[tilespmem:$0x1E080] =	vst v63  }
0x8d: {  	s28 =	simm.s32 @!p1 $0x1;
	s26 =	simm.s32 @p1 $0x6800  }
0x8e: {  	[spmem:s2] =	stream.indirect.scatter.add.f32 @p1 [tilespmem:s26], [sflag:$0x3], $0x80, s25, s0, $0xb8;
	[tilespmem:$0x1E080] =	vst v63  }
0x8f: {  	_ =	swait.ge @!p1 [sflag:s28], $0x3E80  }
0x90: {  	s0 =	simm.s32 @!p1 $0x4;
	[sflag:s28] =	ssyncset.done @!p1 $0x0  }
0x91: {  	s26 =	simm.s32 @!p1 $0x7D;
	[sflag:s28] =	ssyncadd.s32 @!p1 $0xFFFFC180;
	s28 =	simm.s32 @!p1 $0x6800  }
0x92: {  	[tilespmem:s28], [sflag:$0x2] =	stream.indirect.gather @!p1 [hbm4b:s4+s26], $0x80, s24, s26, $0xb8;
	[tilespmem:$0x1E080] =	vst v63  }
0x93: {  	s0 =	simm.s32 @p1 $0x3;
	s24 =	simm.s32 @!p1 $0x2800  }
0x94: {  	[spmem:s2] =	stream.indirect.scatter.add.f32 @!p1 [tilespmem:s24], [sflag:$0x4], $0x80, s25, s26, $0xb8;
	[tilespmem:$0x1E080] =	vst v63  }
0x95: {  	_ =	swait.ge [sflag:s0], $0x3E80  }
0x96: {  	[sflag:s0] =	ssyncset.done $0x0  }
0x97: {  	[sflag:s0] =	ssyncadd.s32 $0xFFFFC180  }
0x98: {  	_ =	swait.ge [sflag:s20], $0x3E80  }
0x99: {  	[sflag:s20] =	ssyncset.done $0x0  }
0x9a: {  	[sflag:s20] =	ssyncadd.s32 $0xFFFFC180  }
0x9b: {  	[spmem:s2] =	stream.indirect.scatter.add.f32 [tilespmem:s22], [sflag:$0x3], $0x80, s21, s18, $0xb8;
	[tilespmem:$0x1E080] =	vst v63  }
0x9c: {  	_ =	swait.ge [sflag:s16], $0x3E80  }
0x9d: {  	[sflag:s16] =	ssyncset.done $0x0  }
0x9e: {  	[sflag:s16] =	ssyncadd.s32 $0xFFFFC180  }
0x9f: {  	[bflag:$0x0] =	sbarrier.arrive $0xFFFF  }
0xa0: {  	[hbm:s12], [sflag:s6] =	dma.local [spmem:s15], $0x2700  }
0xa1: {  	s23 =	sadd.s32 $0x1, s23;
	_ =	swait.ge [sflag:s16], $0x2700  }
0xa2: {  	p1 =	sne.s32 s23, s14;
	[sflag:s16] =	ssyncset.done $0x0  }
.Ltmp2:
0xa3: {  	s0 =	simm.s32 @!p0 $0x3;
	[sflag:s16] =	ssyncadd.s32 $0xFFFFD900;
	(pc) =	sbr.rel @p1 .LBB2_1-.Ltmp2, $4  }
0xa4: {  	[hbm:s13], [sflag:s6] =	dma.local @!p0 [spmem:s17], $0x100  }
0xa5: {  	_ =	swait.ge @!p0 [sflag:s0], $0x100  }
0xa6: {  	[sflag:s0] =	ssyncset.done @!p0 $0x0  }
0xa7: {  	[sflag:s0] =	ssyncadd.s32 @!p0 $0xFFFFFF00  }
0xa8: {  	_ =	sfence.sel $0x180000  }
0xa9: {  	[bflag:$0x0] =	sbarrier.arrive $0xFFFF  }
0xaa: {  	_ =	strace $0x9000004A  }
0xab: {  	[bflag:$0x2] =	sbarrier.arrive $0xFFFF  }
0xac: {  	p0 =	sne.s32 s1, $0x0;
	s0 =	rddreg [dreg:$0x2]  }
0xad: {  	s0 =	sadd.s32 @!p0 $0x100000, s0  }
0xae: {  	[sflag:s0] =	ssyncadd.tile.s32 @!p0 $0x1;
	_ =	shalt  }
.Lfunc_end2:
_tile_overlayer_lowered:
.L_overlay_start_2:
0xaf: {  	(tag) =	ssettag $0x2  }
0xb0: {  	s0 =	rddreg [dreg:$0x0];
	s2 =	stileid.u32  }
0xb1: {  	s1 =	rddreg [dreg:$0x1];
	p0 =	sne.s32 s2, $0x0  }
0xb2: {  	s3 =	rddreg [dreg:$0x2];
	[bflag:$0x3] =	sbarrier.arrive $0xFFFF;
	s2 =	simm.s32 @!p0 $0x1C03  }
0xb3: {  	[timem:s3], [sflag:s2] =	dma.local @!p0 [hbm:s0], s1  }
0xb4: {  	s0 =	simm.s32 @!p0 $0x3  }
0xb5: {  	_ =	swait.ge @!p0 [sflag:s0], s1  }
0xb6: {  	s1 =	ssub.s32 @!p0 $0x0, s1;
	[sflag:s0] =	ssyncset.done @!p0 $0x0  }
0xb7: {  	[sflag:s0] =	ssyncadd.s32 @!p0 s1  }
0xb8: {  	[bflag:$0x3] =	sbarrier.arrive $0xFFFF  }
0xb9: {  	_ =	shalt  }

// kernel: kernel.7.cloned.1.call-start
scs
__scs_entry_jumppad:
0x0: {  	(pc) =	sbr.rel $0x88, $3  }
0x1: {  	(tag) =	ssettag $0x0;
	lr =	simm.s32 $0x1  }
0x2: {  	[smem:$0x3F98] =	sst lr;
	_ =	strace $0xD0000000  }
0x3: {  	_ = 	snop  }
0x4: {  	_ = 	snop  }
0x5: {  	_ = 	snop  }
0x6: {  	_ = 	snop  }
0x7: {  	_ = 	snop  }
__scs_overlays_trampoline_lowered:
0x8: {  	[smem:$0x3FA7] =	sst s0  }
0x9: {  	[smem:$0x3FA8] =	sst s1  }
0xa: {  	[smem:$0x3FA9] =	sst s2  }
0xb: {  	[smem:$0x3FAA] =	sst s3  }
0xc: {  	[smem:$0x3FAB] =	sst s4  }
0xd: {  	[smem:$0x3FAC] =	sst s5  }
0xe: {  	[smem:$0x3FAD] =	sst s6  }
0xf: {  	[smem:$0x3FAE] =	sst s7  }
0x10: {  	[smem:$0x3FAF] =	sst s8  }
0x11: {  	[smem:$0x3FB0] =	sst s9;
	s0 =	simm.s32 @!p0 $0x0  }
0x12: {  	s1 =	sld [smem:$0x3F96];
	s0 =	simm.s32 @p0 $0x1  }
0x13: {  	[smem:$0x3FB1] =	sst s0;
	s0 =	simm.s32 @!p1 $0x0  }
0x14: {  	s2 =	sld [smem:$0x3F95];
	s0 =	simm.s32 @p1 $0x1  }
0x15: {  	[smem:$0x3FB2] =	sst s0;
	s0 =	simm.s32 @!p2 $0x0  }
0x16: {  	s3 =	sld [smem:$0x3FDB];
	s0 =	simm.s32 @p2 $0x1  }
0x17: {  	s4 =	simm.s32 $0x1BF5;
	[smem:$0x3FB4] =	sst s0  }
0x18: {  	s0 =	sld [smem:$0x3F97];
	_ =	swait.ge [sflag:s4], $0x0  }
0x19: {  	s7 =	sld [smem:$0x3F98]  }
0x1a: {  	s8 =	sadd.s32 $0xFFFFE003, lr  }
0x1b: {  	s9 =	sadd.s32 $0xFFFFFEF7, lr;
	s5 =	simm.s32 $0xFFFFFFFF;
	p2 =	slt.u32 s8, $0xFFFFF086  }
0x1c: {  	p1 =	slt.u32 s9, $0xF7A;
	s5 =	simm.s32 @!p2 $0x0  }
0x1d: {  	s5 =	simm.s32 @p1 $0x1;
	p0 =	seq.s32 s7, s2  }
0x1e: {  	s7 =	smul.u32 @!p0 $0xF7A, s2;
	p2 =	seq.s32 @!p0 s5, $0x0  }
0x1f: {  	s9 =	smul.u32 $0xF7A, s1;
	s8 =	simm.s32 @!p0 $0x1BF5;
	p2 =	por !p2, p0  }
0x20: {  	[sflag:s8] =	ssyncset.s32 @!p0 $0xFFFFF086;
	s6 =	sadd.s32 @!p0 s3, s7;
	s7 =	simm.s32 @!p0 $0x108  }
0x21: {  	s3 =	sadd.s32 s3, s9;
	s6 =	sadd.s32 @!p0 $0x88, s6;
	s7 =	simm.s32 @p2 $0x1082  }
0x22: {  	[simem:s7], [sflag:s8] =	dma.local @!p0 [hbm:s6], $0xF7A  }
0x23: {  	s9 =	sor.u32 $0xD0000000, s2;
	s6 =	simm.s32 $0x108;
	_ =	swait.ge @!p0 [sflag:s8], $0x0  }
0x24: {  	s3 =	sadd.s32 $0x88, s3;
	s6 =	simm.s32 @!p1 $0x1082;
	[sflag:s4] =	ssyncset.s32 $0xFFFFF086  }
0x25: {  	[simem:s6], [sflag:s4] =	dma.local [hbm:s3], $0xF7A  }
0x26: {  	[smem:$0x3F98] =	sst s1;
	(tag) =	ssettag s2;
	_ =	strace s9  }
0x27: {  	s1 =	sld [smem:$0x3FA8]  }
0x28: {  	s2 =	sld [smem:$0x3FA9]  }
0x29: {  	s4 =	sld [smem:$0x3FAB]  }
0x2a: {  	p0 =	seq.s32 s5, $0x0;
	s5 =	sld [smem:$0x3FAC]  }
0x2b: {  	s6 =	sld [smem:$0x3FAD]  }
0x2c: {  	s7 =	sld [smem:$0x3FAE]  }
0x2d: {  	s3 =	simm.s32 $0x108;
	s8 =	sld [smem:$0x3FAF]  }
0x2e: {  	s3 =	simm.s32 @!p0 $0x1082;
	s9 =	sld [smem:$0x3FB0]  }
0x2f: {  	lr =	sadd.s32 s0, s3;
	s0 =	sld [smem:$0x3FA7]  }
0x30: {  	s3 =	sld [smem:$0x3FAA]  }
0x31: {  	[smem:$0x3FB3] =	sst s10  }
0x32: {  	s10 =	sld [smem:$0x3FB1];
	_ =	sdelay $0x3  }
0x33: {  	p0 =	seq.s32 s10, $0x1;
	s10 =	sld [smem:$0x3FB3];
	_ =	sdelay $0x3  }
0x34: {  	[smem:$0x3FB3] =	sst s10  }
0x35: {  	s10 =	sld [smem:$0x3FB2];
	_ =	sdelay $0x3  }
0x36: {  	p1 =	seq.s32 s10, $0x1;
	s10 =	sld [smem:$0x3FB3];
	_ =	sdelay $0x3  }
0x37: {  	[smem:$0x3FB3] =	sst s10  }
0x38: {  	s10 =	sld [smem:$0x3FB4]  }
0x39: {  	_ = 	snop;
	(pc) =	sbr.ind lr, $3  }
0x3a: {  	_ = 	snop  }
0x3b: {  	_ = 	snop  }
0x3c: {  	p2 =	seq.s32 s10, $0x1;
	s10 =	sld [smem:$0x3FB3]  }
0x3d: {  	_ =	shalt  }
0x3e: {  	_ =	shalt  }
0x3f: {  	_ =	shalt  }
0x40: {  	_ =	shalt  }
0x41: {  	_ =	shalt  }
0x42: {  	_ =	shalt  }
0x43: {  	_ =	shalt  }
0x44: {  	_ =	shalt  }
0x45: {  	_ =	shalt  }
0x46: {  	_ =	shalt  }
0x47: {  	_ =	shalt  }
0x48: {  	_ =	shalt  }
0x49: {  	_ =	shalt  }
0x4a: {  	_ =	shalt  }
0x4b: {  	_ =	shalt  }
0x4c: {  	_ =	shalt  }
0x4d: {  	_ =	shalt  }
0x4e: {  	_ =	shalt  }
0x4f: {  	_ =	shalt  }
0x50: {  	_ =	shalt  }
0x51: {  	_ =	shalt  }
0x52: {  	_ =	shalt  }
0x53: {  	_ =	shalt  }
0x54: {  	_ =	shalt  }
0x55: {  	_ =	shalt  }
0x56: {  	_ =	shalt  }
0x57: {  	_ =	shalt  }
0x58: {  	_ =	shalt  }
0x59: {  	_ =	shalt  }
0x5a: {  	_ =	shalt  }
0x5b: {  	_ =	shalt  }
0x5c: {  	_ =	shalt  }
0x5d: {  	_ =	shalt  }
0x5e: {  	_ =	shalt  }
0x5f: {  	_ =	shalt  }
0x60: {  	_ =	shalt  }
0x61: {  	_ =	shalt  }
0x62: {  	_ =	shalt  }
0x63: {  	_ =	shalt  }
0x64: {  	_ =	shalt  }
0x65: {  	_ =	shalt  }
0x66: {  	_ =	shalt  }
0x67: {  	_ =	shalt  }
0x68: {  	_ =	shalt  }
0x69: {  	_ =	shalt  }
0x6a: {  	_ =	shalt  }
0x6b: {  	_ =	shalt  }
0x6c: {  	_ =	shalt  }
0x6d: {  	_ =	shalt  }
0x6e: {  	_ =	shalt  }
0x6f: {  	_ =	shalt  }
0x70: {  	_ =	shalt  }
0x71: {  	_ =	shalt  }
0x72: {  	_ =	shalt  }
0x73: {  	_ =	shalt  }
0x74: {  	_ =	shalt  }
0x75: {  	_ =	shalt  }
0x76: {  	_ =	shalt  }
0x77: {  	_ =	shalt  }
0x78: {  	_ =	shalt  }
0x79: {  	_ =	shalt  }
0x7a: {  	_ =	shalt  }
0x7b: {  	_ =	shalt  }
0x7c: {  	_ =	shalt  }
0x7d: {  	_ =	shalt  }
0x7e: {  	_ =	shalt  }
0x7f: {  	_ =	shalt  }
0x80: {  	_ =	shalt  }
0x81: {  	_ =	shalt  }
0x82: {  	_ =	shalt  }
0x83: {  	_ =	shalt  }
0x84: {  	_ =	shalt  }
0x85: {  	_ =	shalt  }
0x86: {  	_ =	shalt  }
0x87: {  	_ =	shalt  }
.Lfunc_end0:
.L_simem_size_0:
called_computation_lowered:
.L_overlay_start_0:
0x88: {  	s2 =	sld [smem:$0x3FD9]  }
0x89: {  	s3 =	sld [smem:$0x3FFE];
	_ =	sdelay $0x1  }
0x8a: {  	s1 =	srdreg.scid  }
0x8b: {  	s0 =	sand.u32 $0x1, s1  }
0x8c: {  	s16 =	sshll.u32 s0, $0xA;
	s2 =	sadd.s32 s3, s2  }
0x8d: {  	s2 =	sadd.s32 s2, s16  }
0x8e: {  	[smem:$0x3FBF] =	sst s2  }
0x8f: {  	_ = 	snop  }
0x90: {  	(tm) =	ssettm $0x1  }
0x91: {  	s17 =	sld [smem:$0x3FFB];
	_ =	sdelay $0x3  }
0x92: {  	_ =	strace s17  }
0x93: {  	s2 =	sld [smem:$0x3FFC];
	_ =	sdelay $0x3  }
0x94: {  	_ =	strace s2  }
0x95: {  	s2 =	sld [smem:$0x3FFD];
	_ =	sdelay $0x3  }
0x96: {  	_ =	strace s2  }
0x97: {  	_ =	strace $0x8FFFFFFF  }
0x98: {  	s18 =	sld [smem:$0x3FDB];
	_ =	sdelay $0x1  }
0x99: {  	s19 =	simm.s32 $_scs_section_size  }
0x9a: {  	s4 =	simm.s32 $_size__tile_overlayer_lowered;
	s5 =	simm.s32 $_tile_overlayer_lowered  }
0x9b: {  	s22 =	simm.s32 $0x1BFF;
	s21 =	sshll.u32 s5, $0x1;
	s2 =	sadd.s32 s19, s18  }
0x9c: {  	s6 =	simm.s32 $0x0;
	s20 =	sshll.u32 s4, $0x1;
	s4 =	sadd.s32 s21, s2  }
0x9d: {  	[timem:s6], [sflag:s22] =	dma.local [hbm:s4], s20  }
0x9e: {  	_ =	swait.ge [sflag:s22], s20  }
0x9f: {  	s3 =	ssub.s32 $0x0, s20;
	[sflag:s22] =	ssyncset.done $0x0  }
0xa0: {  	[sflag:s22] =	ssyncadd.s32 s3;
	_ =	sdelay $0x1  }
0xa1: {  	s23 =	simm.s32 $0x1B8B  }
0xa2: {  	_ =	swait.ge [sflag:s23], $0x1  }
0xa3: {  	[sflag:s23] =	ssyncset.done $0x0  }
0xa4: {  	s25 =	simm.s32 $0x1B8E;
	s24 =	sld [smem:$0x3FFE];
	[sflag:s23] =	ssyncadd.s32 $0xFFFFFFFF  }
0xa5: {  	s26 =	simm.s32 $execute0_lowered;
	[smem:$0x3FD2] =	sst s25  }
0xa6: {  	s4 =	sshll.u32 s26, $0x1;
	_ =	strace $0x80000046;
	[dreg:$0x1] =	wrdreg $0xFFFFFFFF  }
0xa7: {  	s28 =	simm.s32 $_size_execute0_lowered;
	s2 =	sadd.s32 s2, s4;
	[dreg:$0x0] =	wrdreg $0x0  }
0xa8: {  	s4 =	sshll.u32 s28, $0x1;
	[dreg:$0x2] =	wrdreg s2  }
0xa9: {  	[dreg:$0x3] =	wrdreg s4  }
0xaa: {  	[dreg:$0x4] =	wrdreg $0xC0  }
0xab: {  	_ =	task [dreg:s6], $0x5FFFF  }
0xac: {  	[dreg:$0x1] =	wrdreg $0xFFFFFFFF  }
0xad: {  	[dreg:$0x0] =	wrdreg $0x60  }
0xae: {  	[dreg:$0x2] =	wrdreg s24  }
0xaf: {  	[dreg:$0x3] =	wrdreg $0xA8000  }
0xb0: {  	[dreg:$0x4] =	wrdreg $0x9  }
0xb1: {  	_ =	task.clear_ibuf [dreg:s6], $0x5FFFF;
	_ =	strace $0x90000046  }
0xb2: {  	s29 =	simm.s32 $0x9;
	_ =	strace $0x80000048  }
0xb3: {  	_ =	swait.ge [sflag:s29], $0x1  }
0xb4: {  	[sflag:s29] =	ssyncadd.s32 $0xFFFFFFFF  }
0xb5: {  	_ =	strace $0x90000048  }
0xb6: {  	_ =	sfence  }
0xb7: {  	s30 =	sld [smem:$0x0];
	_ =	sdelay $0x2  }
0xb8: {  	s31 =	sshll.u32 s1, $0xD;
	s1 =	sshrl.u32 s1, $0x2  }
0xb9: {  	s3 =	sand.u32 $0x4000, s31;
	s1 =	sadd.s32 s1, s30  }
0xba: {  	s0 =	sor.u32 s3, s0;
	s1 =	sshll.u32 s1, $0x11  }
0xbb: {  	s0 =	sor.u32 s1, s0  }
0xbc: {  	s0 =	sadd.s32 $0x8F2B, s0  }
0xbd: {  	[sflag:s0] =	ssyncadd.remote.s32 $0x1  }
0xbe: {  	_ =	sfence.sel $0xFFFF  }
0xbf: {  	[dreg:$0x0] =	wrdreg $0xFFFFFFFF;
	(pc) =	sbr.abs _section_cstart, $3  }
0xc0: {  	[dreg:$0x1] =	wrdreg $0xFFFFFFFF  }
0xc1: {  	_ =	task.clear_ibuf [dreg:s6], $0x2FFFF;
	_ =	strace $0x9FFFFFFF  }
0xc2: {  	(tm) =	ssettm $0x7FFFFFFF  }
0xc3: {  	_ =	shalt  }
tec
execute0_lowered:
.L_overlay_start_1:
0x0: {  	(tag) =	ssettag $0x1  }
0x1: {  	s7 =	rddreg [dreg:$0x0]  }
0x2: {  	s2 =	rddreg [dreg:$0x1];
	s3 =	simm.s32 $0x0  }
0x3: {  	s1 =	stileid.u32;
	s6 =	srdreg.scid;
	s20 =	simm.s32 $0x2  }
0x4: {  	s21 =	simm.s32 $0x2780;
	s22 =	simm.s32 $0x6800;
	s23 =	simm.s32 $0x0  }
0x5: {  	[smem:$0x7FF] =	sst s3;
	s10 =	smul.u32 $0x13800, s1;
	s4 =	sadd.s32 $0x16000, s7  }
0x6: {  	s11 =	sadd.s32 $0x2000, s7;
	s12 =	sadd.s32 $0xC000, s7;
	s8 =	sand.u32 $0x1, s6  }
0x7: {  	s29 =	smul.u32 $0x4E000, s1;
	s13 =	sadd.s32 $0x64400, s7;
	s14 =	sshll.u32 s1, $0x1  }
0x8: {  	s31 =	sshll.u32 s1, $0x6;
	s17 =	sadd.s32 $0x138000, s2;
	p0 =	sne.s32 s1, $0xF  }
0x9: {  	_ =	strace $0x80000047;
	s9 =	ssub.s32 $0x2, s8;
	s14 =	sor.u32 s8, s14  }
0xa: {  	s18 =	smul.u32 $0x138800, s8;
	s17 =	sshrl.u32 @!p0 s17, $0x3;
	s5 =	sshrl.u32 s10, $0x3  }
0xb: {  	s15 =	sshrl.u32 s9, $0x1;
	s6 =	sshrl.u32 s29, $0x2;
	s30 =	smul.u32 $0x500, s14  }
0xc: {  	s14 =	smul.u32 $0x2800, s14;
	s5 =	sadd.s32 s5, s7;
	s15 =	ssub.s32 s9, s15  }
0xd: {  	s16 =	sadd.s32 s6, s2;
	s6 =	sor.u32 $0x1C03, s31;
	s7 =	sadd.s32 $0x64200, s7  }
0xe: {  	s19 =	sadd.s32 s10, s18;
	s18 =	sshrl.u32 s18, $0x3;
	s14 =	sshrl.u32 s14, $0x3  }
0xf: {  	s5 =	sadd.s32 $0x3D200, s5;
	s8 =	sadd.s32 s11, s30;
	s14 =	sadd.s32 $0x280, s14  }
0x10: {  	s9 =	sadd.s32 s12, s30;
	s19 =	sshrl.u32 s19, $0x3;
	s10 =	sadd.s32 s11, s14  }
0x11: {  	s11 =	sadd.s32 s12, s14;
	s12 =	sadd.s32 s13, s19;
	s13 =	sadd.s32 s13, s18  }
0x12: {  	s14 =	smax.u32 s15, $0x1;
	s15 =	sshrl.u32 s16, $0x3;
	s16 =	simm.s32 $0x3  }
0x13: {  	s18 =	simm.s32 $0x7D;
	s19 =	simm.s32 $0x2800;
	s13 =	sadd.s32 $0x27000, s13  }
.LBB2_1:
0x14: {  	[spmem:s15], [sflag:s6] =	dma.local [hbm:s5], $0x2700  }
0x15: {  	_ =	swait.ge [sflag:s16], $0x2700  }
0x16: {  	[sflag:s16] =	ssyncset.done $0x0  }
0x17: {  	s24 =	simm.s32 @!p0 $0x3;
	[sflag:s16] =	ssyncadd.s32 $0xFFFFD900  }
0x18: {  	[spmem:s17], [sflag:s6] =	dma.local @!p0 [hbm:s7], $0x100  }
0x19: {  	_ =	swait.ge @!p0 [sflag:s24], $0x100  }
0x1a: {  	[sflag:s24] =	ssyncset.done @!p0 $0x0  }
0x1b: {  	[sflag:s24] =	ssyncadd.s32 @!p0 $0xFFFFFF00  }
0x1c: {  	[bflag:$0x0] =	sbarrier.arrive $0xFFFF  }
0x1d: {  	[tilespmem:s3], [sflag:$0x3] =	stream.linear.gather [hbm4b:s8+s3], $0x1400, $0x38;
	[tilespmem:$0x1E080] =	vst v63  }
0x1e: {  	_ =	swait.ge [sflag:s16], $0x1400  }
0x1f: {  	[sflag:s16] =	ssyncset.done $0x0  }
0x20: {  	s24 =	simm.s32 $0x1400;
	[sflag:s16] =	ssyncadd.s32 $0xFFFFEC00  }
0x21: {  	[tilespmem:s24], [sflag:$0x3] =	stream.linear.gather [hbm4b:s9+s3], $0x1400, $0x38;
	[tilespmem:$0x1E080] =	vst v63  }
0x22: {  	s25 =	sand.u32 $0x1, s3;
	_ =	swait.ge [sflag:s16], $0x1400  }
0x23: {  	p1 =	seq.s32 s25, $0x1;
	[sflag:s16] =	ssyncset.done $0x0  }
0x24: {  	s25 =	simm.s32 @p1 $0x2;
	[sflag:s16] =	ssyncadd.s32 $0xFFFFEC00  }
0x25: {  	[tilespmem:s19], [sflag:$0x1] =	stream.indirect.gather [hbm4b:s4+s18], $0x80, s3, s18, $0xb8;
	[tilespmem:$0x1E080] =	vst v63  }
0x26: {  	_ =	swait.ge @p1 [sflag:s25], $0x3E80  }
0x27: {  	s28 =	simm.s32 $0x80;
	[sflag:s25] =	ssyncset.done @p1 $0x0  }
0x28: {  	s26 =	simm.s32 @p1 $0x2800;
	[sflag:s25] =	ssyncadd.s32 @p1 $0xFFFFC180;
	s25 =	simm.s32 @p1 $0x7D  }
0x29: {  	[tilespmem:s26], [sflag:$0x1] =	stream.indirect.gather @p1 [hbm4b:s4+s25], $0x80, s28, s25, $0xb8;
	[tilespmem:$0x1E080] =	vst v63  }
0x2a: {  	s29 =	simm.s32 @!p1 $0x1;
	s26 =	simm.s32 @p1 $0x6800  }
0x2b: {  	[spmem:s2] =	stream.indirect.scatter.add.f32 @p1 [tilespmem:s26], [sflag:$0x3], $0x80, s24, s25, $0xb8;
	[tilespmem:$0x1E080] =	vst v63  }
0x2c: {  	_ =	swait.ge @!p1 [sflag:s29], $0x3E80  }
0x2d: {  	s26 =	simm.s32 @!p1 $0x4;
	[sflag:s29] =	ssyncset.done @!p1 $0x0  }
0x2e: {  	s25 =	simm.s32 @!p1 $0x7D;
	[sflag:s29] =	ssyncadd.s32 @!p1 $0xFFFFC180;
	s29 =	simm.s32 @!p1 $0x6800  }
0x2f: {  	[tilespmem:s29], [sflag:$0x2] =	stream.indirect.gather @!p1 [hbm4b:s4+s25], $0x80, s28, s25, $0xb8;
	[tilespmem:$0x1E080] =	vst v63  }
0x30: {  	s26 =	simm.s32 @p1 $0x3;
	s29 =	simm.s32 $0x1;
	s28 =	simm.s32 @!p1 $0x2800  }
0x31: {  	[spmem:s2] =	stream.indirect.scatter.add.f32 @!p1 [tilespmem:s28], [sflag:$0x4], $0x80, s24, s25, $0xb8;
	[tilespmem:$0x1E080] =	vst v63  }
0x32: {  	s29 =	sand.u32 $0x1, s29;
	s28 =	simm.s32 $0x2;
	_ =	swait.ge [sflag:s26], $0x3E80  }
0x33: {  	s24 =	simm.s32 $0x100;
	s25 =	simm.s32 $0x1480;
	[sflag:s26] =	ssyncset.done $0x0  }
.LBB2_2:
0x34: {  	p2 =	seq.s32 s29, $0x1  }
0x35: {  	[sflag:s26] =	ssyncadd.s32 $0xFFFFC180;
	s29 =	smov.u32 s28;
	s28 =	sadd.s32 $0x1, s28  }
0x36: {  	p1 =	sne.s32 s28, $0x27;
	s30 =	simm.s32 @p2 $0x2;
	s26 =	simm.s32 @!p2 $0x4  }
0x37: {  	_ =	swait.ge @p2 [sflag:s30], $0x3E80  }
0x38: {  	[sflag:s30] =	ssyncset.done @p2 $0x0  }
0x39: {  	s31 =	simm.s32 @p2 $0x2800;
	[sflag:s30] =	ssyncadd.s32 @p2 $0xFFFFC180;
	s30 =	simm.s32 @p2 $0x7D  }
0x3a: {  	[tilespmem:s31], [sflag:$0x1] =	stream.indirect.gather @p2 [hbm4b:s4+s30], $0x80, s24, s30, $0xb8;
	[tilespmem:$0x1E080] =	vst v63  }
0x3b: {  	s0 =	simm.s32 @!p2 $0x1;
	s31 =	simm.s32 @p2 $0x6800  }
0x3c: {  	[spmem:s2] =	stream.indirect.scatter.add.f32 @p2 [tilespmem:s31], [sflag:$0x3], $0x80, s25, s30, $0xb8;
	[tilespmem:$0x1E080] =	vst v63  }
0x3d: {  	_ =	swait.ge @!p2 [sflag:s0], $0x3E80  }
0x3e: {  	[sflag:s0] =	ssyncset.done @!p2 $0x0  }
0x3f: {  	s30 =	simm.s32 @!p2 $0x6800;
	[sflag:s0] =	ssyncadd.s32 @!p2 $0xFFFFC180;
	s0 =	simm.s32 @!p2 $0x7D  }
0x40: {  	[tilespmem:s30], [sflag:$0x2] =	stream.indirect.gather @!p2 [hbm4b:s4+s0], $0x80, s24, s0, $0xb8;
	[tilespmem:$0x1E080] =	vst v63  }
.Ltmp0:
0x41: {  	_ = 	snop;
	(pc) =	sbr.rel @p1 .LBB2_2-.Ltmp0, $4  }
0x42: {  	s26 =	simm.s32 @p2 $0x3;
	s30 =	simm.s32 @!p2 $0x2800  }
0x43: {  	[spmem:s2] =	stream.indirect.scatter.add.f32 @!p2 [tilespmem:s30], [sflag:$0x4], $0x80, s25, s0, $0xb8;
	[tilespmem:$0x1E080] =	vst v63  }
0x44: {  	s24 =	sadd.s32 $0x80, s24;
	_ =	swait.ge [sflag:s26], $0x3E80  }
0x45: {  	s29 =	sand.u32 $0x1, s29;
	s25 =	sadd.s32 $0x80, s25;
	[sflag:s26] =	ssyncset.done $0x0  }
0x46: {  	p1 =	seq.s32 s29, $0x1  }
0x47: {  	[sflag:s26] =	ssyncadd.s32 $0xFFFFC180;
	s0 =	simm.s32 @p1 $0x2  }
0x48: {  	_ =	swait.ge @p1 [sflag:s0], $0x3E80  }
0x49: {  	[sflag:s0] =	ssyncset.done @p1 $0x0  }
0x4a: {  	s26 =	simm.s32 @p1 $0x2800;
	[sflag:s0] =	ssyncadd.s32 @p1 $0xFFFFC180;
	s0 =	simm.s32 @p1 $0x7D  }
0x4b: {  	[tilespmem:s26], [sflag:$0x1] =	stream.indirect.gather @p1 [hbm4b:s4+s0], $0x80, s24, s0, $0xb8;
	[tilespmem:$0x1E080] =	vst v63  }
0x4c: {  	s28 =	simm.s32 @!p1 $0x1;
	s26 =	simm.s32 @p1 $0x6800  }
0x4d: {  	[spmem:s2] =	stream.indirect.scatter.add.f32 @p1 [tilespmem:s26], [sflag:$0x3], $0x80, s25, s0, $0xb8;
	[tilespmem:$0x1E080] =	vst v63  }
0x4e: {  	_ =	swait.ge @!p1 [sflag:s28], $0x3E80  }
0x4f: {  	s0 =	simm.s32 @!p1 $0x4;
	[sflag:s28] =	ssyncset.done @!p1 $0x0  }
0x50: {  	s26 =	simm.s32 @!p1 $0x7D;
	[sflag:s28] =	ssyncadd.s32 @!p1 $0xFFFFC180;
	s28 =	simm.s32 @!p1 $0x6800  }
0x51: {  	[tilespmem:s28], [sflag:$0x2] =	stream.indirect.gather @!p1 [hbm4b:s4+s26], $0x80, s24, s26, $0xb8;
	[tilespmem:$0x1E080] =	vst v63  }
0x52: {  	s0 =	simm.s32 @p1 $0x3;
	s24 =	simm.s32 @!p1 $0x2800  }
0x53: {  	[spmem:s2] =	stream.indirect.scatter.add.f32 @!p1 [tilespmem:s24], [sflag:$0x4], $0x80, s25, s26, $0xb8;
	[tilespmem:$0x1E080] =	vst v63  }
0x54: {  	_ =	swait.ge [sflag:s0], $0x3E80  }
0x55: {  	[sflag:s0] =	ssyncset.done $0x0  }
0x56: {  	[sflag:s0] =	ssyncadd.s32 $0xFFFFC180  }
0x57: {  	_ =	swait.ge [sflag:s20], $0x3E80  }
0x58: {  	[sflag:s20] =	ssyncset.done $0x0  }
0x59: {  	[sflag:s20] =	ssyncadd.s32 $0xFFFFC180  }
0x5a: {  	[spmem:s2] =	stream.indirect.scatter.add.f32 [tilespmem:s22], [sflag:$0x3], $0x80, s21, s18, $0xb8;
	[tilespmem:$0x1E080] =	vst v63  }
0x5b: {  	_ =	swait.ge [sflag:s16], $0x3E80  }
0x5c: {  	[sflag:s16] =	ssyncset.done $0x0  }
0x5d: {  	s30 =	simm.s32 $0x0;
	[sflag:s16] =	ssyncadd.s32 $0xFFFFC180  }
0x5e: {  	[tilespmem:s30], [sflag:$0x3] =	stream.linear.gather [hbm4b:s10+s30], $0x1400, $0x38;
	[tilespmem:$0x1E080] =	vst v63  }
0x5f: {  	_ =	swait.ge [sflag:s16], $0x1400  }
0x60: {  	[sflag:s16] =	ssyncset.done $0x0  }
0x61: {  	s24 =	simm.s32 $0x1400;
	[sflag:s16] =	ssyncadd.s32 $0xFFFFEC00  }
0x62: {  	[tilespmem:s24], [sflag:$0x3] =	stream.linear.gather [hbm4b:s11+s30], $0x1400, $0x38;
	[tilespmem:$0x1E080] =	vst v63  }
0x63: {  	s0 =	sand.u32 $0x1, s30;
	_ =	swait.ge [sflag:s16], $0x1400  }
0x64: {  	p1 =	seq.s32 s0, $0x1;
	[sflag:s16] =	ssyncset.done $0x0  }
0x65: {  	s0 =	simm.s32 @p1 $0x2;
	[sflag:s16] =	ssyncadd.s32 $0xFFFFEC00  }
0x66: {  	[tilespmem:s19], [sflag:$0x1] =	stream.indirect.gather [hbm4b:s4+s18], $0x80, s30, s18, $0xb8;
	[tilespmem:$0x1E080] =	vst v63  }
0x67: {  	_ =	swait.ge @p1 [sflag:s0], $0x3E80  }
0x68: {  	s25 =	simm.s32 $0x80;
	[sflag:s0] =	ssyncset.done @p1 $0x0  }
0x69: {  	s26 =	simm.s32 @p1 $0x2800;
	[sflag:s0] =	ssyncadd.s32 @p1 $0xFFFFC180;
	s0 =	simm.s32 @p1 $0x7D  }
0x6a: {  	[tilespmem:s26], [sflag:$0x1] =	stream.indirect.gather @p1 [hbm4b:s4+s0], $0x80, s25, s0, $0xb8;
	[tilespmem:$0x1E080] =	vst v63  }
0x6b: {  	s28 =	simm.s32 @!p1 $0x1;
	s26 =	simm.s32 @p1 $0x6800  }
0x6c: {  	[spmem:s2] =	stream.indirect.scatter.add.f32 @p1 [tilespmem:s26], [sflag:$0x3], $0x80, s24, s0, $0xb8;
	[tilespmem:$0x1E080] =	vst v63  }
0x6d: {  	_ =	swait.ge @!p1 [sflag:s28], $0x3E80  }
0x6e: {  	s26 =	simm.s32 @!p1 $0x4;
	[sflag:s28] =	ssyncset.done @!p1 $0x0  }
0x6f: {  	s0 =	simm.s32 @!p1 $0x7D;
	[sflag:s28] =	ssyncadd.s32 @!p1 $0xFFFFC180;
	s28 =	simm.s32 @!p1 $0x6800  }
0x70: {  	[tilespmem:s28], [sflag:$0x2] =	stream.indirect.gather @!p1 [hbm4b:s4+s0], $0x80, s25, s0, $0xb8;
	[tilespmem:$0x1E080] =	vst v63  }
0x71: {  	s31 =	simm.s32 $0x1;
	s26 =	simm.s32 @p1 $0x3;
	s28 =	simm.s32 @!p1 $0x2800  }
0x72: {  	[spmem:s2] =	stream.indirect.scatter.add.f32 @!p1 [tilespmem:s28], [sflag:$0x4], $0x80, s24, s0, $0xb8;
	[tilespmem:$0x1E080] =	vst v63  }
0x73: {  	s29 =	sand.u32 $0x1, s31;
	s25 =	simm.s32 $0x1480;
	_ =	swait.ge [sflag:s26], $0x3E80  }
0x74: {  	s28 =	simm.s32 $0x2;
	s24 =	simm.s32 $0x100;
	[sflag:s26] =	ssyncset.done $0x0  }
.LBB2_4:
0x75: {  	p2 =	seq.s32 s29, $0x1  }
0x76: {  	[sflag:s26] =	ssyncadd.s32 $0xFFFFC180;
	s0 =	smov.u32 s28;
	s28 =	sadd.s32 $0x1, s28  }
0x77: {  	p1 =	sne.s32 s28, $0x27;
	s29 =	simm.s32 @p2 $0x2;
	s26 =	simm.s32 @!p2 $0x4  }
0x78: {  	_ =	swait.ge @p2 [sflag:s29], $0x3E80  }
0x79: {  	[sflag:s29] =	ssyncset.done @p2 $0x0  }
0x7a: {  	s30 =	simm.s32 @p2 $0x2800;
	[sflag:s29] =	ssyncadd.s32 @p2 $0xFFFFC180;
	s29 =	simm.s32 @p2 $0x7D  }
0x7b: {  	[tilespmem:s30], [sflag:$0x1] =	stream.indirect.gather @p2 [hbm4b:s4+s29], $0x80, s24, s29, $0xb8;
	[tilespmem:$0x1E080] =	vst v63  }
0x7c: {  	s31 =	simm.s32 @!p2 $0x1;
	s30 =	simm.s32 @p2 $0x6800  }
0x7d: {  	[spmem:s2] =	stream.indirect.scatter.add.f32 @p2 [tilespmem:s30], [sflag:$0x3], $0x80, s25, s29, $0xb8;
	[tilespmem:$0x1E080] =	vst v63  }
0x7e: {  	_ =	swait.ge @!p2 [sflag:s31], $0x3E80  }
0x7f: {  	[sflag:s31] =	ssyncset.done @!p2 $0x0  }
0x80: {  	s29 =	simm.s32 @!p2 $0x7D;
	s30 =	simm.s32 @!p2 $0x6800;
	[sflag:s31] =	ssyncadd.s32 @!p2 $0xFFFFC180  }
0x81: {  	[tilespmem:s30], [sflag:$0x2] =	stream.indirect.gather @!p2 [hbm4b:s4+s29], $0x80, s24, s29, $0xb8;
	[tilespmem:$0x1E080] =	vst v63  }
.Ltmp1:
0x82: {  	_ = 	snop;
	(pc) =	sbr.rel @p1 .LBB2_4-.Ltmp1, $4  }
0x83: {  	s26 =	simm.s32 @p2 $0x3;
	s30 =	simm.s32 @!p2 $0x2800  }
0x84: {  	[spmem:s2] =	stream.indirect.scatter.add.f32 @!p2 [tilespmem:s30], [sflag:$0x4], $0x80, s25, s29, $0xb8;
	[tilespmem:$0x1E080] =	vst v63  }
0x85: {  	s24 =	sadd.s32 $0x80, s24;
	_ =	swait.ge [sflag:s26], $0x3E80  }
0x86: {  	s29 =	sand.u32 $0x1, s0;
	s25 =	sadd.s32 $0x80, s25;
	[sflag:s26] =	ssyncset.done $0x0  }
0x87: {  	p1 =	seq.s32 s29, $0x1  }
0x88: {  	[sflag:s26] =	ssyncadd.s32 $0xFFFFC180;
	s0 =	simm.s32 @p1 $0x2  }
0x89: {  	_ =	swait.ge @p1 [sflag:s0], $0x3E80  }
0x8a: {  	[sflag:s0] =	ssyncset.done @p1 $0x0  }
0x8b: {  	s26 =	simm.s32 @p1 $0x2800;
	[sflag:s0] =	ssyncadd.s32 @p1 $0xFFFFC180;
	s0 =	simm.s32 @p1 $0x7D  }
0x8c: {  	[tilespmem:s26], [sflag:$0x1] =	stream.indirect.gather @p1 [hbm4b:s4+s0], $0x80, s24, s0, $0xb8;
	[tilespmem:$0x1E080] =	vst v63  }
0x8d: {  	s28 =	simm.s32 @!p1 $0x1;
	s26 =	simm.s32 @p1 $0x6800  }
0x8e: {  	[spmem:s2] =	stream.indirect.scatter.add.f32 @p1 [tilespmem:s26], [sflag:$0x3], $0x80, s25, s0, $0xb8;
	[tilespmem:$0x1E080] =	vst v63  }
0x8f: {  	_ =	swait.ge @!p1 [sflag:s28], $0x3E80  }
0x90: {  	s0 =	simm.s32 @!p1 $0x4;
	[sflag:s28] =	ssyncset.done @!p1 $0x0  }
0x91: {  	s26 =	simm.s32 @!p1 $0x7D;
	[sflag:s28] =	ssyncadd.s32 @!p1 $0xFFFFC180;
	s28 =	simm.s32 @!p1 $0x6800  }
0x92: {  	[tilespmem:s28], [sflag:$0x2] =	stream.indirect.gather @!p1 [hbm4b:s4+s26], $0x80, s24, s26, $0xb8;
	[tilespmem:$0x1E080] =	vst v63  }
0x93: {  	s0 =	simm.s32 @p1 $0x3;
	s24 =	simm.s32 @!p1 $0x2800  }
0x94: {  	[spmem:s2] =	stream.indirect.scatter.add.f32 @!p1 [tilespmem:s24], [sflag:$0x4], $0x80, s25, s26, $0xb8;
	[tilespmem:$0x1E080] =	vst v63  }
0x95: {  	_ =	swait.ge [sflag:s0], $0x3E80  }
0x96: {  	[sflag:s0] =	ssyncset.done $0x0  }
0x97: {  	[sflag:s0] =	ssyncadd.s32 $0xFFFFC180  }
0x98: {  	_ =	swait.ge [sflag:s20], $0x3E80  }
0x99: {  	[sflag:s20] =	ssyncset.done $0x0  }
0x9a: {  	[sflag:s20] =	ssyncadd.s32 $0xFFFFC180  }
0x9b: {  	[spmem:s2] =	stream.indirect.scatter.add.f32 [tilespmem:s22], [sflag:$0x3], $0x80, s21, s18, $0xb8;
	[tilespmem:$0x1E080] =	vst v63  }
0x9c: {  	_ =	swait.ge [sflag:s16], $0x3E80  }
0x9d: {  	[sflag:s16] =	ssyncset.done $0x0  }
0x9e: {  	[sflag:s16] =	ssyncadd.s32 $0xFFFFC180  }
0x9f: {  	[bflag:$0x0] =	sbarrier.arrive $0xFFFF  }
0xa0: {  	[hbm:s12], [sflag:s6] =	dma.local [spmem:s15], $0x2700  }
0xa1: {  	s23 =	sadd.s32 $0x1, s23;
	_ =	swait.ge [sflag:s16], $0x2700  }
0xa2: {  	p1 =	sne.s32 s23, s14;
	[sflag:s16] =	ssyncset.done $0x0  }
.Ltmp2:
0xa3: {  	s0 =	simm.s32 @!p0 $0x3;
	[sflag:s16] =	ssyncadd.s32 $0xFFFFD900;
	(pc) =	sbr.rel @p1 .LBB2_1-.Ltmp2, $4  }
0xa4: {  	[hbm:s13], [sflag:s6] =	dma.local @!p0 [spmem:s17], $0x100  }
0xa5: {  	_ =	swait.ge @!p0 [sflag:s0], $0x100  }
0xa6: {  	[sflag:s0] =	ssyncset.done @!p0 $0x0  }
0xa7: {  	[sflag:s0] =	ssyncadd.s32 @!p0 $0xFFFFFF00  }
0xa8: {  	_ =	sfence.sel $0x180000  }
0xa9: {  	[bflag:$0x0] =	sbarrier.arrive $0xFFFF  }
0xaa: {  	_ =	strace $0x90000047  }
0xab: {  	[bflag:$0x2] =	sbarrier.arrive $0xFFFF  }
0xac: {  	p0 =	sne.s32 s1, $0x0;
	s0 =	rddreg [dreg:$0x2]  }
0xad: {  	s0 =	sadd.s32 @!p0 $0x100000, s0  }
0xae: {  	[sflag:s0] =	ssyncadd.tile.s32 @!p0 $0x1;
	_ =	shalt  }
.Lfunc_end2:
_tile_overlayer_lowered:
.L_overlay_start_2:
0xaf: {  	(tag) =	ssettag $0x2  }
0xb0: {  	s0 =	rddreg [dreg:$0x0];
	s2 =	stileid.u32  }
0xb1: {  	s1 =	rddreg [dreg:$0x1];
	p0 =	sne.s32 s2, $0x0  }
0xb2: {  	s3 =	rddreg [dreg:$0x2];
	[bflag:$0x3] =	sbarrier.arrive $0xFFFF;
	s2 =	simm.s32 @!p0 $0x1C03  }
0xb3: {  	[timem:s3], [sflag:s2] =	dma.local @!p0 [hbm:s0], s1  }
0xb4: {  	s0 =	simm.s32 @!p0 $0x3  }
0xb5: {  	_ =	swait.ge @!p0 [sflag:s0], s1  }
0xb6: {  	s1 =	ssub.s32 @!p0 $0x0, s1;
	[sflag:s0] =	ssyncset.done @!p0 $0x0  }
0xb7: {  	[sflag:s0] =	ssyncadd.s32 @!p0 s1  }
0xb8: {  	[bflag:$0x3] =	sbarrier.arrive $0xFFFF  }
0xb9: {  	_ =	shalt  }

</sc_bundles>
